<compile_context>
chip_gen: v7x
topology: tpu7x:2x2x1
jax: 0.10.2.dev20260603
libtpu: 0.0.44.dev20260713+nightly
codegen_flags: <defaults>
</compile_context>

<pallas_src>
import functools

import jax
import jax.numpy as jnp
from jax import lax
from jax.experimental import pallas as pl
from jax.experimental.pallas import tpu as pltpu
from jax.experimental.pallas import tpu_sc as plsc

NN = 10000
D = 128
E = 320000
NW = 32
CH = 128
EPW = 10240
NCHUNK = EPW // CH
EPAD = NW * EPW - E
NB = 2
NGROUP = NCHUNK // NB
NP = 10112
RPT = NP // 16

_mesh = functools.partial(
    plsc.VectorSubcoreMesh, core_axis_name="c", subcore_axis_name="s",
    num_cores=2, num_subcores=16)


def _deg_body(dst_hbm, zf_hbm, of_hbm, out_hbm, idx_v, ones_v, accum_sh):
  cid = lax.axis_index("c")
  sid = lax.axis_index("s")
  wid = cid * 16 + sid

  pltpu.sync_copy(of_hbm, ones_v)
  pltpu.sync_copy(zf_hbm.at[pl.ds(sid * RPT, RPT)],
                  accum_sh.at[pl.ds(sid * RPT, RPT)])
  plsc.subcore_barrier()

  base = wid * EPW

  def chunk(j, c):
    pltpu.sync_copy(dst_hbm.at[pl.ds(base + j * CH, CH)], idx_v)
    pltpu.sync_copy(ones_v, accum_sh.at[idx_v], add=True)
    return c
  lax.fori_loop(0, NCHUNK, chunk, 0)

  plsc.subcore_barrier()
  pltpu.sync_copy(accum_sh.at[pl.ds(sid * RPT, RPT)],
                  out_hbm.at[cid, pl.ds(sid * RPT, RPT)])


def _deg_call(dst_p, zf, of):
  return pl.kernel(
      _deg_body,
      out_type=jax.ShapeDtypeStruct((2, NP, D), jnp.float32),
      mesh=_mesh(),
      scratch_types=[
          pltpu.VMEM((CH,), jnp.int32),
          pltpu.VMEM((CH, D), jnp.float32),
          pltpu.VMEM_SHARED((NP, D), jnp.float32),
      ],
  )(dst_p, zf, of)


def _scat_body(src_hbm, dst_hbm, g_hbm, zf_hbm, out_hbm, *scr):
  idxs_v = scr[0:NB]
  rows_v = scr[NB:2 * NB]
  sems = scr[2 * NB:3 * NB]
  idxd_v = scr[3 * NB:4 * NB]
  sems_d = scr[4 * NB:5 * NB]
  accum_sh = scr[5 * NB]

  cid = lax.axis_index("c")
  sid = lax.axis_index("s")
  wid = cid * 16 + sid

  pltpu.sync_copy(zf_hbm.at[pl.ds(sid * RPT, RPT)],
                  accum_sh.at[pl.ds(sid * RPT, RPT)])
  plsc.subcore_barrier()

  base = wid * EPW

  for b in range(NB):
    pltpu.sync_copy(src_hbm.at[pl.ds(base + b * CH, CH)], idxs_v[b])
    pltpu.async_copy(g_hbm.at[idxs_v[b]], rows_v[b], sems[b])
    pltpu.async_copy(dst_hbm.at[pl.ds(base + b * CH, CH)], idxd_v[b], sems_d[b])

  def group(g, c):
    for b in range(NB):
      j = g * NB + b
      pltpu.make_async_copy(g_hbm.at[idxs_v[b]], rows_v[b], sems[b]).wait()
      pltpu.make_async_copy(dst_hbm.at[pl.ds(base + j * CH, CH)], idxd_v[b],
                            sems_d[b]).wait()
      pltpu.sync_copy(rows_v[b], accum_sh.at[idxd_v[b]], add=True)
      jn = jnp.minimum(j + NB, NCHUNK - 1)
      pltpu.sync_copy(src_hbm.at[pl.ds(base + jn * CH, CH)], idxs_v[b])
      pltpu.async_copy(g_hbm.at[idxs_v[b]], rows_v[b], sems[b])
      pltpu.async_copy(dst_hbm.at[pl.ds(base + jn * CH, CH)], idxd_v[b],
                       sems_d[b])
    return c
  lax.fori_loop(0, NGROUP, group, 0)

  for b in range(NB):
    pltpu.make_async_copy(g_hbm.at[idxs_v[b]], rows_v[b], sems[b]).wait()
    pltpu.make_async_copy(dst_hbm.at[pl.ds(0, CH)], idxd_v[b], sems_d[b]).wait()

  plsc.subcore_barrier()
  pltpu.sync_copy(accum_sh.at[pl.ds(sid * RPT, RPT)],
                  out_hbm.at[cid, pl.ds(sid * RPT, RPT)])


def _scat_call(src_p, dst_p, g, zf):
  return pl.kernel(
      _scat_body,
      out_type=jax.ShapeDtypeStruct((2, NP, D), jnp.float32),
      mesh=_mesh(),
      scratch_types=(
          [pltpu.VMEM((CH,), jnp.int32) for _ in range(NB)]
          + [pltpu.VMEM((CH, D), jnp.float32) for _ in range(NB)]
          + [pltpu.SemaphoreType.DMA for _ in range(NB)]
          + [pltpu.VMEM((CH,), jnp.int32) for _ in range(NB)]
          + [pltpu.SemaphoreType.DMA for _ in range(NB)]
          + [pltpu.VMEM_SHARED((NP, D), jnp.float32)]
      ),
  )(src_p, dst_p, g, zf)


BR = 1000
_P = jax.lax.Precision.HIGHEST


def _tca_body(deg_ref, x_ref, norm_ref, g_ref):
  d = deg_ref[0] + deg_ref[1]
  nrm = lax.rsqrt(jnp.maximum(d[:, 0:1], 1.0))
  norm_ref[...] = nrm
  g_ref[...] = x_ref[...] * nrm


def _tca_call(deg16, x):
  return pl.pallas_call(
      _tca_body,
      grid=(NN // BR,),
      in_specs=[
          pl.BlockSpec((2, BR, D), lambda r: (0, r, 0)),
          pl.BlockSpec((BR, D), lambda r: (r, 0)),
      ],
      out_specs=[
          pl.BlockSpec((BR, 1), lambda r: (r, 0)),
          pl.BlockSpec((BR, D), lambda r: (r, 0)),
      ],
      out_shape=[
          jax.ShapeDtypeStruct((NN, 1), jnp.float32),
          jax.ShapeDtypeStruct((NN, D), jnp.float32),
      ],
  )(deg16, x)


def _tcb_body(s_ref, norm_ref, w_ref, b_ref, g2_ref):
  nrm = norm_ref[...]
  agg = (s_ref[0] + s_ref[1]) * nrm
  h = jnp.dot(agg, w_ref[...], preferred_element_type=jnp.float32,
              precision=_P) + b_ref[...]
  g2_ref[...] = jnp.maximum(h, 0.0) * nrm


def _tcb_call(s1, norm, w1, b1):
  return pl.pallas_call(
      _tcb_body,
      grid=(NN // BR,),
      in_specs=[
          pl.BlockSpec((2, BR, D), lambda r: (0, r, 0)),
          pl.BlockSpec((BR, 1), lambda r: (r, 0)),
          pl.BlockSpec((D, D), lambda r: (0, 0)),
          pl.BlockSpec((D,), lambda r: (0,)),
      ],
      out_specs=pl.BlockSpec((BR, D), lambda r: (r, 0)),
      out_shape=jax.ShapeDtypeStruct((NN, D), jnp.float32),
  )(s1, norm, w1, b1)


def _tcc_body(s_ref, norm_ref, w2_ref, b2_ref, wf1_ref, bf1_ref,
              wf2_ref, bf2_ref, out_ref):
  agg = (s_ref[0] + s_ref[1]) * norm_ref[...]
  h2 = jnp.maximum(
      jnp.dot(agg, w2_ref[...], preferred_element_type=jnp.float32,
              precision=_P) + b2_ref[...], 0.0)
  h3 = jnp.maximum(
      jnp.dot(h2, wf1_ref[...], preferred_element_type=jnp.float32,
              precision=_P) + bf1_ref[...], 0.0)
  out_ref[...] = jnp.dot(h3, wf2_ref[...], preferred_element_type=jnp.float32,
                         precision=_P) + bf2_ref[...]


def _tcc_call(s2, norm, w2, b2, wf1, bf1, wf2, bf2):
  nout = wf2.shape[1]
  return pl.pallas_call(
      _tcc_body,
      grid=(NN // BR,),
      in_specs=[
          pl.BlockSpec((2, BR, D), lambda r: (0, r, 0)),
          pl.BlockSpec((BR, 1), lambda r: (r, 0)),
          pl.BlockSpec((D, D), lambda r: (0, 0)),
          pl.BlockSpec((D,), lambda r: (0,)),
          pl.BlockSpec((D, D), lambda r: (0, 0)),
          pl.BlockSpec((D,), lambda r: (0,)),
          pl.BlockSpec((D, nout), lambda r: (0, 0)),
          pl.BlockSpec((nout,), lambda r: (0,)),
      ],
      out_specs=pl.BlockSpec((BR, nout), lambda r: (r, 0)),
      out_shape=jax.ShapeDtypeStruct((NN, nout), jnp.float32),
  )(s2, norm, w2, b2, wf1, bf1, wf2, bf2)


@jax.jit
def kernel(x, edge_index, W1, b1, W2, b2, Wf1, bf1, Wf2, bf2):
  src = edge_index[0]
  dst = edge_index[1]
  pad = jnp.arange(EPAD, dtype=jnp.int32)
  src_p = jnp.concatenate([src, pad % NN])
  dst_p = jnp.concatenate([dst, NN + pad % (NP - NN)])
  zf = jnp.zeros((NP, D), jnp.float32)
  of = jnp.ones((CH, D), jnp.float32)

  deg_s = _deg_call(dst_p, zf, of)
  norm, g1 = _tca_call(deg_s, x)
  s1 = _scat_call(src_p, dst_p, g1, zf)
  g2 = _tcb_call(s1, norm, W1, b1)
  s2 = _scat_call(src_p, dst_p, g2, zf)
  return _tcc_call(s2, norm, W2, b2, Wf1, bf1, Wf2, bf2)

# --- scband reference (transcript-rebuilt; emitter-appended) ---
"""Pipeline reference for scband-model-85529978732907 (READ-ONLY COPY).

The authoritative reference and input builder live on the scoring server;
editing this copy changes nothing except your own understanding.
"""

import jax, jax.numpy as jnp
import numpy as np

N = 10000
E = 320000
D = 128
HID = 128
FFN = 128
OUT = 40


def setup_inputs(seed: int = 0) -> dict:
    key = jax.random.key(seed)
    ks = jax.random.split(key, 12)
    x = jax.random.normal(ks[0], (N, D), dtype=jnp.float32)
    edge_index = jax.random.randint(ks[1], (2, E), 0, N, dtype=jnp.int32)
    s1 = 1.0 / np.sqrt(D)
    s2 = 1.0 / np.sqrt(HID)
    s3 = 1.0 / np.sqrt(FFN)
    W1 = jax.random.normal(ks[2], (D, HID), dtype=jnp.float32) * s1
    b1 = jnp.zeros((HID,), dtype=jnp.float32)
    W2 = jax.random.normal(ks[3], (HID, HID), dtype=jnp.float32) * s2
    b2 = jnp.zeros((HID,), dtype=jnp.float32)
    Wf1 = jax.random.normal(ks[4], (HID, FFN), dtype=jnp.float32) * s2
    bf1 = jnp.zeros((FFN,), dtype=jnp.float32)
    Wf2 = jax.random.normal(ks[5], (FFN, OUT), dtype=jnp.float32) * s3
    bf2 = jnp.zeros((OUT,), dtype=jnp.float32)
    return {"x": x, "edge_index": edge_index, "W1": W1, "b1": b1, "W2": W2, "b2": b2, "Wf1": Wf1, "bf1": bf1, "Wf2": Wf2, "bf2": bf2}


def reference(x, edge_index, W1, b1, W2, b2, Wf1, bf1, Wf2, bf2):
    src = edge_index[0]
    dst = edge_index[1]
    deg = jnp.zeros((N,), x.dtype).at[dst].add(1.0)
    deg = jnp.clip(deg, 1.0, None)
    norm = jax.lax.rsqrt(deg)
    edge_w = (norm[src] * norm[dst])[:, None]

    def gcn_layer(h, W, b):
        msg = h[src] * edge_w
        agg = jax.ops.segment_sum(msg, dst, num_segments=N)
        return jax.nn.relu(agg @ W + b)

    h = gcn_layer(x, W1, b1)
    h = gcn_layer(h, W2, b2)
    h = jax.nn.relu(h @ Wf1 + bf1)
    out = h @ Wf2 + bf2
    return out

if __name__ == "__main__":
    import jax
    _d = setup_inputs()
    print(jax.jit(kernel)(*tuple(_d.values())))

</pallas_src>

<mosaic_0001>
#map = affine_map<(d0, d1) -> (0)>
#map1 = affine_map<(d0, d1) -> (0, 0)>
#map2 = affine_map<(d0, d1) -> (0, 0, 0)>
module attributes {stable_mosaic.version = 14 : i64} {
  func.func @_deg_body(%arg0: i32, %arg1: i32, %arg2: memref<327680xi32, #tpu.memory_space<hbm>>, %arg3: memref<10112x128xf32, #tpu.memory_space<hbm>>, %arg4: memref<128x128xf32, #tpu.memory_space<hbm>>, %arg5: memref<2x10112x128xf32, #tpu.memory_space<hbm>>, %arg6: memref<128xi32, #tpu.memory_space<vmem>>, %arg7: memref<128x128xf32, #tpu.memory_space<vmem>>, %arg8: memref<10112x128xf32, #tpu.memory_space<vmem_shared>>) attributes {dimension_semantics = [#tpu.dimension_semantics<core_parallel>, #tpu.dimension_semantics<subcore_parallel>], iteration_bounds = array<i64: 2, 16>, scalar_prefetch = 0 : i64, scratch_operands = 3 : i64, tpu.core_type = #tpu.core_type<sc_vector_subcore>, window_params = [{transform_indices = #map}, {transform_indices = #map1}, {transform_indices = #map1}, {transform_indices = #map2}]} {
    %mul3A = arith.constant 16 : i32
    %mul3A_0 = arith.muli %arg0, %mul3A : i32
    %add3A = arith.addi %mul3A_0, %arg1 : i32
    "tpu.region"() ({
      %run_scoped3A = tpu.sem_alloc : memref<!tpu.dma_semaphore, #tpu.memory_space<semaphore_mem>>
      tpu.enqueue_dma source(%arg4 : memref<128x128xf32, #tpu.memory_space<hbm>>) target(%arg7 : memref<128x128xf32, #tpu.memory_space<vmem>>) target_semaphore(%run_scoped3A : memref<!tpu.dma_semaphore, #tpu.memory_space<semaphore_mem>>)
      tpu.wait_dma2 semaphore(%run_scoped3A : memref<!tpu.dma_semaphore, #tpu.memory_space<semaphore_mem>>) src(%arg4 : memref<128x128xf32, #tpu.memory_space<hbm>>) dst(%arg7 : memref<128x128xf32, #tpu.memory_space<vmem>>)
      tpu.yield
    }) : () -> ()
    %mul3A_1 = arith.constant 632 : i32
    %mul3A_2 = arith.muli %arg1, %mul3A_1 : i32
    %mul3A_3 = arith.constant 632 : i32
    %mul3A_4 = arith.muli %arg1, %mul3A_3 : i32
    "tpu.region"() ({
      %run_scoped3A = tpu.sem_alloc : memref<!tpu.dma_semaphore, #tpu.memory_space<semaphore_mem>>
      %dma_start3A = arith.constant 0 : i32
      %dma_start3A_17 = tpu.memref_slice %arg8[%mul3A_4, %dma_start3A] : memref<10112x128xf32, #tpu.memory_space<vmem_shared>> -> memref<632x128xf32, #tpu.memory_space<vmem_shared>>
      %dma_start3A_18 = arith.constant 0 : i32
      %dma_start3A_19 = tpu.memref_slice %arg3[%mul3A_2, %dma_start3A_18] : memref<10112x128xf32, #tpu.memory_space<hbm>> -> memref<632x128xf32, #tpu.memory_space<hbm>>
      tpu.enqueue_dma source(%dma_start3A_19 : memref<632x128xf32, #tpu.memory_space<hbm>>) target(%dma_start3A_17 : memref<632x128xf32, #tpu.memory_space<vmem_shared>>) target_semaphore(%run_scoped3A : memref<!tpu.dma_semaphore, #tpu.memory_space<semaphore_mem>>)
      %dma_wait3A = arith.constant 0 : i32
      %dma_wait3A_20 = tpu.memref_slice %arg8[%mul3A_4, %dma_wait3A] : memref<10112x128xf32, #tpu.memory_space<vmem_shared>> -> memref<632x128xf32, #tpu.memory_space<vmem_shared>>
      %dma_wait3A_21 = arith.constant 0 : i32
      %dma_wait3A_22 = tpu.memref_slice %arg3[%mul3A_2, %dma_wait3A_21] : memref<10112x128xf32, #tpu.memory_space<hbm>> -> memref<632x128xf32, #tpu.memory_space<hbm>>
      tpu.wait_dma2 semaphore(%run_scoped3A : memref<!tpu.dma_semaphore, #tpu.memory_space<semaphore_mem>>) src(%dma_wait3A_22 : memref<632x128xf32, #tpu.memory_space<hbm>>) dst(%dma_wait3A_20 : memref<632x128xf32, #tpu.memory_space<vmem_shared>>)
      tpu.yield
    }) : () -> ()
    %barrier3A = arith.constant 0 : index
    tpu.barrier barrier_id(%barrier3A)
    %mul3A_5 = arith.constant 10240 : i32
    %mul3A_6 = arith.muli %add3A, %mul3A_5 : i32
    %scan3A = arith.constant 0 : i32
    %scan3A_7 = arith.constant 0 : i32
    %scan3A_8 = arith.constant 80 : i32
    %scan3A_9 = arith.addi %scan3A_7, %scan3A_8 : i32
    %scan3A_10 = arith.constant 1 : i32
    scf.for %scan3A_17 = %scan3A_7 to %scan3A_9 step %scan3A_10  : i32 {
      %mul3A_18 = arith.constant 128 : i32
      %mul3A_19 = arith.muli %scan3A_17, %mul3A_18 : i32
      %add3A_20 = arith.addi %mul3A_6, %mul3A_19 : i32
      "tpu.region"() ({
        %run_scoped3A = tpu.sem_alloc : memref<!tpu.dma_semaphore, #tpu.memory_space<semaphore_mem>>
        %dma_start3A = tpu.memref_slice %arg2[%add3A_20] : memref<327680xi32, #tpu.memory_space<hbm>> -> memref<128xi32, #tpu.memory_space<hbm>>
        %dma_start3A_21 = tpu.memref_slice %arg2[%add3A_20] : memref<327680xi32, #tpu.memory_space<hbm>> -> memref<128xi32, #tpu.memory_space<hbm>>
        tpu.enqueue_dma source(%dma_start3A_21 : memref<128xi32, #tpu.memory_space<hbm>>) target(%arg6 : memref<128xi32, #tpu.memory_space<vmem>>) target_semaphore(%run_scoped3A : memref<!tpu.dma_semaphore, #tpu.memory_space<semaphore_mem>>)
        %dma_wait3A = tpu.memref_slice %arg2[%add3A_20] : memref<327680xi32, #tpu.memory_space<hbm>> -> memref<128xi32, #tpu.memory_space<hbm>>
        %dma_wait3A_22 = tpu.memref_slice %arg2[%add3A_20] : memref<327680xi32, #tpu.memory_space<hbm>> -> memref<128xi32, #tpu.memory_space<hbm>>
        tpu.wait_dma2 semaphore(%run_scoped3A : memref<!tpu.dma_semaphore, #tpu.memory_space<semaphore_mem>>) src(%dma_wait3A_22 : memref<128xi32, #tpu.memory_space<hbm>>) dst(%arg6 : memref<128xi32, #tpu.memory_space<vmem>>)
        tpu.yield
      }) : () -> ()
      "tpu.region"() ({
        %run_scoped3A = tpu.sem_alloc : memref<!tpu.dma_semaphore, #tpu.memory_space<semaphore_mem>>
        %dma_start3A = arith.constant 0 : i32
        %dma_start3A_21 = arith.constant 0 : i32
        %dma_start3A_22 = tpu.memref_slice %arg8[%dma_start3A, %dma_start3A_21] : memref<10112x128xf32, #tpu.memory_space<vmem_shared>> -> memref<10112x128xf32, #tpu.memory_space<vmem_shared>>
        tpu.enqueue_indirect_dma source(%arg7 : memref<128x128xf32, #tpu.memory_space<vmem>>) target(%dma_start3A_22 : memref<10112x128xf32, #tpu.memory_space<vmem_shared>>) offsets(%arg6 : memref<128xi32, #tpu.memory_space<vmem>>) semaphore(%run_scoped3A : memref<!tpu.dma_semaphore, #tpu.memory_space<semaphore_mem>>) {add = true}
        %dma_wait3A = arith.constant 0 : i32
        %dma_wait3A_23 = arith.constant 0 : i32
        %dma_wait3A_24 = tpu.memref_slice %arg8[%dma_wait3A, %dma_wait3A_23] : memref<10112x128xf32, #tpu.memory_space<vmem_shared>> -> memref<10112x128xf32, #tpu.memory_space<vmem_shared>>
        tpu.wait_indirect_dma semaphore(%run_scoped3A : memref<!tpu.dma_semaphore, #tpu.memory_space<semaphore_mem>>) src(%arg7 : memref<128x128xf32, #tpu.memory_space<vmem>>) dst(%dma_wait3A_24 : memref<10112x128xf32, #tpu.memory_space<vmem_shared>>)
        tpu.yield
      }) : () -> ()
    }
    %scan3A_11 = arith.constant 80 : i32
    %barrier3A_12 = arith.constant 0 : index
    tpu.barrier barrier_id(%barrier3A_12)
    %mul3A_13 = arith.constant 632 : i32
    %mul3A_14 = arith.muli %arg1, %mul3A_13 : i32
    %mul3A_15 = arith.constant 632 : i32
    %mul3A_16 = arith.muli %arg1, %mul3A_15 : i32
    "tpu.region"() ({
      %run_scoped3A = tpu.sem_alloc : memref<!tpu.dma_semaphore, #tpu.memory_space<semaphore_mem>>
      %dma_start3A = arith.constant 0 : i32
      %dma_start3A_17 = tpu.memref_slice %arg5[%arg0, %mul3A_16, %dma_start3A] : memref<2x10112x128xf32, #tpu.memory_space<hbm>> -> memref<1x632x128xf32, #tpu.memory_space<hbm>>
      %dma_start3A_18 = tpu.memref_squeeze %dma_start3A_17 : memref<1x632x128xf32, #tpu.memory_space<hbm>> -> memref<632x128xf32, #tpu.memory_space<hbm>>
      %dma_start3A_19 = arith.constant 0 : i32
      %dma_start3A_20 = tpu.memref_slice %arg8[%mul3A_14, %dma_start3A_19] : memref<10112x128xf32, #tpu.memory_space<vmem_shared>> -> memref<632x128xf32, #tpu.memory_space<vmem_shared>>
      tpu.enqueue_dma source(%dma_start3A_20 : memref<632x128xf32, #tpu.memory_space<vmem_shared>>) target(%dma_start3A_18 : memref<632x128xf32, #tpu.memory_space<hbm>>) target_semaphore(%run_scoped3A : memref<!tpu.dma_semaphore, #tpu.memory_space<semaphore_mem>>)
      %dma_wait3A = arith.constant 0 : i32
      %dma_wait3A_21 = tpu.memref_slice %arg5[%arg0, %mul3A_16, %dma_wait3A] : memref<2x10112x128xf32, #tpu.memory_space<hbm>> -> memref<1x632x128xf32, #tpu.memory_space<hbm>>
      %dma_wait3A_22 = tpu.memref_squeeze %dma_wait3A_21 : memref<1x632x128xf32, #tpu.memory_space<hbm>> -> memref<632x128xf32, #tpu.memory_space<hbm>>
      %dma_wait3A_23 = arith.constant 0 : i32
      %dma_wait3A_24 = tpu.memref_slice %arg8[%mul3A_14, %dma_wait3A_23] : memref<10112x128xf32, #tpu.memory_space<vmem_shared>> -> memref<632x128xf32, #tpu.memory_space<vmem_shared>>
      tpu.wait_dma2 semaphore(%run_scoped3A : memref<!tpu.dma_semaphore, #tpu.memory_space<semaphore_mem>>) src(%dma_wait3A_24 : memref<632x128xf32, #tpu.memory_space<vmem_shared>>) dst(%dma_wait3A_22 : memref<632x128xf32, #tpu.memory_space<hbm>>)
      tpu.yield
    }) : () -> ()
    return
  }
}

#map = affine_map<(d0, d1) -> (0)>
#map1 = affine_map<(d0, d1) -> (0, 0)>
#map2 = affine_map<(d0, d1) -> (0, 0, 0)>
module attributes {stable_mosaic.version = 14 : i64} {
  func.func @_scat_body(%arg0: i32, %arg1: i32, %arg2: memref<327680xi32, #tpu.memory_space<hbm>>, %arg3: memref<327680xi32, #tpu.memory_space<hbm>>, %arg4: memref<10000x128xf32, #tpu.memory_space<hbm>>, %arg5: memref<10112x128xf32, #tpu.memory_space<hbm>>, %arg6: memref<2x10112x128xf32, #tpu.memory_space<hbm>>, %arg7: memref<128xi32, #tpu.memory_space<vmem>>, %arg8: memref<128xi32, #tpu.memory_space<vmem>>, %arg9: memref<128x128xf32, #tpu.memory_space<vmem>>, %arg10: memref<128x128xf32, #tpu.memory_space<vmem>>, %arg11: memref<!tpu.dma_semaphore, #tpu.memory_space<semaphore_mem>>, %arg12: memref<!tpu.dma_semaphore, #tpu.memory_space<semaphore_mem>>, %arg13: memref<128xi32, #tpu.memory_space<vmem>>, %arg14: memref<128xi32, #tpu.memory_space<vmem>>, %arg15: memref<!tpu.dma_semaphore, #tpu.memory_space<semaphore_mem>>, %arg16: memref<!tpu.dma_semaphore, #tpu.memory_space<semaphore_mem>>, %arg17: memref<10112x128xf32, #tpu.memory_space<vmem_shared>>) attributes {dimension_semantics = [#tpu.dimension_semantics<core_parallel>, #tpu.dimension_semantics<subcore_parallel>], iteration_bounds = array<i64: 2, 16>, scalar_prefetch = 0 : i64, scratch_operands = 11 : i64, tpu.core_type = #tpu.core_type<sc_vector_subcore>, window_params = [{transform_indices = #map}, {transform_indices = #map}, {transform_indices = #map1}, {transform_indices = #map1}, {transform_indices = #map2}]} {
    %mul3A = arith.constant 16 : i32
    %mul3A_0 = arith.muli %arg0, %mul3A : i32
    %add3A = arith.addi %mul3A_0, %arg1 : i32
    %mul3A_1 = arith.constant 632 : i32
    %mul3A_2 = arith.muli %arg1, %mul3A_1 : i32
    %mul3A_3 = arith.constant 632 : i32
    %mul3A_4 = arith.muli %arg1, %mul3A_3 : i32
    "tpu.region"() ({
      %run_scoped3A = tpu.sem_alloc : memref<!tpu.dma_semaphore, #tpu.memory_space<semaphore_mem>>
      %dma_start3A_47 = arith.constant 0 : i32
      %dma_start3A_48 = tpu.memref_slice %arg17[%mul3A_4, %dma_start3A_47] : memref<10112x128xf32, #tpu.memory_space<vmem_shared>> -> memref<632x128xf32, #tpu.memory_space<vmem_shared>>
      %dma_start3A_49 = arith.constant 0 : i32
      %dma_start3A_50 = tpu.memref_slice %arg5[%mul3A_2, %dma_start3A_49] : memref<10112x128xf32, #tpu.memory_space<hbm>> -> memref<632x128xf32, #tpu.memory_space<hbm>>
      tpu.enqueue_dma source(%dma_start3A_50 : memref<632x128xf32, #tpu.memory_space<hbm>>) target(%dma_start3A_48 : memref<632x128xf32, #tpu.memory_space<vmem_shared>>) target_semaphore(%run_scoped3A : memref<!tpu.dma_semaphore, #tpu.memory_space<semaphore_mem>>)
      %dma_wait3A_51 = arith.constant 0 : i32
      %dma_wait3A_52 = tpu.memref_slice %arg17[%mul3A_4, %dma_wait3A_51] : memref<10112x128xf32, #tpu.memory_space<vmem_shared>> -> memref<632x128xf32, #tpu.memory_space<vmem_shared>>
      %dma_wait3A_53 = arith.constant 0 : i32
      %dma_wait3A_54 = tpu.memref_slice %arg5[%mul3A_2, %dma_wait3A_53] : memref<10112x128xf32, #tpu.memory_space<hbm>> -> memref<632x128xf32, #tpu.memory_space<hbm>>
      tpu.wait_dma2 semaphore(%run_scoped3A : memref<!tpu.dma_semaphore, #tpu.memory_space<semaphore_mem>>) src(%dma_wait3A_54 : memref<632x128xf32, #tpu.memory_space<hbm>>) dst(%dma_wait3A_52 : memref<632x128xf32, #tpu.memory_space<vmem_shared>>)
      tpu.yield
    }) : () -> ()
    %barrier3A = arith.constant 0 : index
    tpu.barrier barrier_id(%barrier3A)
    %mul3A_5 = arith.constant 10240 : i32
    %mul3A_6 = arith.muli %add3A, %mul3A_5 : i32
    %add3A_7 = arith.constant 0 : i32
    %add3A_8 = arith.addi %mul3A_6, %add3A_7 : i32
    "tpu.region"() ({
      %run_scoped3A = tpu.sem_alloc : memref<!tpu.dma_semaphore, #tpu.memory_space<semaphore_mem>>
      %dma_start3A_47 = tpu.memref_slice %arg2[%add3A_8] : memref<327680xi32, #tpu.memory_space<hbm>> -> memref<128xi32, #tpu.memory_space<hbm>>
      %dma_start3A_48 = tpu.memref_slice %arg2[%add3A_8] : memref<327680xi32, #tpu.memory_space<hbm>> -> memref<128xi32, #tpu.memory_space<hbm>>
      tpu.enqueue_dma source(%dma_start3A_48 : memref<128xi32, #tpu.memory_space<hbm>>) target(%arg7 : memref<128xi32, #tpu.memory_space<vmem>>) target_semaphore(%run_scoped3A : memref<!tpu.dma_semaphore, #tpu.memory_space<semaphore_mem>>)
      %dma_wait3A_49 = tpu.memref_slice %arg2[%add3A_8] : memref<327680xi32, #tpu.memory_space<hbm>> -> memref<128xi32, #tpu.memory_space<hbm>>
      %dma_wait3A_50 = tpu.memref_slice %arg2[%add3A_8] : memref<327680xi32, #tpu.memory_space<hbm>> -> memref<128xi32, #tpu.memory_space<hbm>>
      tpu.wait_dma2 semaphore(%run_scoped3A : memref<!tpu.dma_semaphore, #tpu.memory_space<semaphore_mem>>) src(%dma_wait3A_50 : memref<128xi32, #tpu.memory_space<hbm>>) dst(%arg7 : memref<128xi32, #tpu.memory_space<vmem>>)
      tpu.yield
    }) : () -> ()
    %dma_start3A = arith.constant 0 : i32
    %dma_start3A_9 = arith.constant 0 : i32
    %dma_start3A_10 = tpu.memref_slice %arg4[%dma_start3A, %dma_start3A_9] : memref<10000x128xf32, #tpu.memory_space<hbm>> -> memref<10000x128xf32, #tpu.memory_space<hbm>>
    tpu.enqueue_indirect_dma source(%dma_start3A_10 : memref<10000x128xf32, #tpu.memory_space<hbm>>) target(%arg9 : memref<128x128xf32, #tpu.memory_space<vmem>>) offsets(%arg7 : memref<128xi32, #tpu.memory_space<vmem>>) semaphore(%arg11 : memref<!tpu.dma_semaphore, #tpu.memory_space<semaphore_mem>>)
    %add3A_11 = arith.constant 0 : i32
    %add3A_12 = arith.addi %mul3A_6, %add3A_11 : i32
    %dma_start3A_13 = tpu.memref_slice %arg3[%add3A_12] : memref<327680xi32, #tpu.memory_space<hbm>> -> memref<128xi32, #tpu.memory_space<hbm>>
    %dma_start3A_14 = tpu.memref_slice %arg3[%add3A_12] : memref<327680xi32, #tpu.memory_space<hbm>> -> memref<128xi32, #tpu.memory_space<hbm>>
    tpu.enqueue_dma source(%dma_start3A_14 : memref<128xi32, #tpu.memory_space<hbm>>) target(%arg13 : memref<128xi32, #tpu.memory_space<vmem>>) target_semaphore(%arg15 : memref<!tpu.dma_semaphore, #tpu.memory_space<semaphore_mem>>)
    %add3A_15 = arith.constant 128 : i32
    %add3A_16 = arith.addi %mul3A_6, %add3A_15 : i32
    "tpu.region"() ({
      %run_scoped3A = tpu.sem_alloc : memref<!tpu.dma_semaphore, #tpu.memory_space<semaphore_mem>>
      %dma_start3A_47 = tpu.memref_slice %arg2[%add3A_16] : memref<327680xi32, #tpu.memory_space<hbm>> -> memref<128xi32, #tpu.memory_space<hbm>>
      %dma_start3A_48 = tpu.memref_slice %arg2[%add3A_16] : memref<327680xi32, #tpu.memory_space<hbm>> -> memref<128xi32, #tpu.memory_space<hbm>>
      tpu.enqueue_dma source(%dma_start3A_48 : memref<128xi32, #tpu.memory_space<hbm>>) target(%arg8 : memref<128xi32, #tpu.memory_space<vmem>>) target_semaphore(%run_scoped3A : memref<!tpu.dma_semaphore, #tpu.memory_space<semaphore_mem>>)
      %dma_wait3A_49 = tpu.memref_slice %arg2[%add3A_16] : memref<327680xi32, #tpu.memory_space<hbm>> -> memref<128xi32, #tpu.memory_space<hbm>>
      %dma_wait3A_50 = tpu.memref_slice %arg2[%add3A_16] : memref<327680xi32, #tpu.memory_space<hbm>> -> memref<128xi32, #tpu.memory_space<hbm>>
      tpu.wait_dma2 semaphore(%run_scoped3A : memref<!tpu.dma_semaphore, #tpu.memory_space<semaphore_mem>>) src(%dma_wait3A_50 : memref<128xi32, #tpu.memory_space<hbm>>) dst(%arg8 : memref<128xi32, #tpu.memory_space<vmem>>)
      tpu.yield
    }) : () -> ()
    %dma_start3A_17 = arith.constant 0 : i32
    %dma_start3A_18 = arith.constant 0 : i32
    %dma_start3A_19 = tpu.memref_slice %arg4[%dma_start3A_17, %dma_start3A_18] : memref<10000x128xf32, #tpu.memory_space<hbm>> -> memref<10000x128xf32, #tpu.memory_space<hbm>>
    tpu.enqueue_indirect_dma source(%dma_start3A_19 : memref<10000x128xf32, #tpu.memory_space<hbm>>) target(%arg10 : memref<128x128xf32, #tpu.memory_space<vmem>>) offsets(%arg8 : memref<128xi32, #tpu.memory_space<vmem>>) semaphore(%arg12 : memref<!tpu.dma_semaphore, #tpu.memory_space<semaphore_mem>>)
    %add3A_20 = arith.constant 128 : i32
    %add3A_21 = arith.addi %mul3A_6, %add3A_20 : i32
    %dma_start3A_22 = tpu.memref_slice %arg3[%add3A_21] : memref<327680xi32, #tpu.memory_space<hbm>> -> memref<128xi32, #tpu.memory_space<hbm>>
    %dma_start3A_23 = tpu.memref_slice %arg3[%add3A_21] : memref<327680xi32, #tpu.memory_space<hbm>> -> memref<128xi32, #tpu.memory_space<hbm>>
    tpu.enqueue_dma source(%dma_start3A_23 : memref<128xi32, #tpu.memory_space<hbm>>) target(%arg14 : memref<128xi32, #tpu.memory_space<vmem>>) target_semaphore(%arg16 : memref<!tpu.dma_semaphore, #tpu.memory_space<semaphore_mem>>)
    %scan3A = arith.constant 0 : i32
    %scan3A_24 = arith.constant 0 : i32
    %scan3A_25 = arith.constant 40 : i32
    %scan3A_26 = arith.addi %scan3A_24, %scan3A_25 : i32
    %scan3A_27 = arith.constant 1 : i32
    scf.for %scan3A_47 = %scan3A_24 to %scan3A_26 step %scan3A_27  : i32 {
      %mul3A_48 = arith.constant 2 : i32
      %mul3A_49 = arith.muli %scan3A_47, %mul3A_48 : i32
      %add3A_50 = arith.constant 0 : i32
      %add3A_51 = arith.addi %mul3A_49, %add3A_50 : i32
      %dma_wait3A_52 = arith.constant 0 : i32
      %dma_wait3A_53 = arith.constant 0 : i32
      %dma_wait3A_54 = tpu.memref_slice %arg4[%dma_wait3A_52, %dma_wait3A_53] : memref<10000x128xf32, #tpu.memory_space<hbm>> -> memref<10000x128xf32, #tpu.memory_space<hbm>>
      tpu.wait_indirect_dma semaphore(%arg11 : memref<!tpu.dma_semaphore, #tpu.memory_space<semaphore_mem>>) src(%dma_wait3A_54 : memref<10000x128xf32, #tpu.memory_space<hbm>>) dst(%arg9 : memref<128x128xf32, #tpu.memory_space<vmem>>)
      %mul3A_55 = arith.constant 128 : i32
      %mul3A_56 = arith.muli %add3A_51, %mul3A_55 : i32
      %add3A_57 = arith.addi %mul3A_6, %mul3A_56 : i32
      %dma_wait3A_58 = tpu.memref_slice %arg3[%add3A_57] : memref<327680xi32, #tpu.memory_space<hbm>> -> memref<128xi32, #tpu.memory_space<hbm>>
      %dma_wait3A_59 = tpu.memref_slice %arg3[%add3A_57] : memref<327680xi32, #tpu.memory_space<hbm>> -> memref<128xi32, #tpu.memory_space<hbm>>
      tpu.wait_dma2 semaphore(%arg15 : memref<!tpu.dma_semaphore, #tpu.memory_space<semaphore_mem>>) src(%dma_wait3A_59 : memref<128xi32, #tpu.memory_space<hbm>>) dst(%arg13 : memref<128xi32, #tpu.memory_space<vmem>>)
      "tpu.region"() ({
        %run_scoped3A = tpu.sem_alloc : memref<!tpu.dma_semaphore, #tpu.memory_space<semaphore_mem>>
        %dma_start3A_101 = arith.constant 0 : i32
        %dma_start3A_102 = arith.constant 0 : i32
        %dma_start3A_103 = tpu.memref_slice %arg17[%dma_start3A_101, %dma_start3A_102] : memref<10112x128xf32, #tpu.memory_space<vmem_shared>> -> memref<10112x128xf32, #tpu.memory_space<vmem_shared>>
        tpu.enqueue_indirect_dma source(%arg9 : memref<128x128xf32, #tpu.memory_space<vmem>>) target(%dma_start3A_103 : memref<10112x128xf32, #tpu.memory_space<vmem_shared>>) offsets(%arg13 : memref<128xi32, #tpu.memory_space<vmem>>) semaphore(%run_scoped3A : memref<!tpu.dma_semaphore, #tpu.memory_space<semaphore_mem>>) {add = true}
        %dma_wait3A_104 = arith.constant 0 : i32
        %dma_wait3A_105 = arith.constant 0 : i32
        %dma_wait3A_106 = tpu.memref_slice %arg17[%dma_wait3A_104, %dma_wait3A_105] : memref<10112x128xf32, #tpu.memory_space<vmem_shared>> -> memref<10112x128xf32, #tpu.memory_space<vmem_shared>>
        tpu.wait_indirect_dma semaphore(%run_scoped3A : memref<!tpu.dma_semaphore, #tpu.memory_space<semaphore_mem>>) src(%arg9 : memref<128x128xf32, #tpu.memory_space<vmem>>) dst(%dma_wait3A_106 : memref<10112x128xf32, #tpu.memory_space<vmem_shared>>)
        tpu.yield
      }) : () -> ()
      %add3A_60 = arith.constant 2 : i32
      %add3A_61 = arith.addi %add3A_51, %add3A_60 : i32
      %min3A = arith.constant 79 : i32
      %min3A_62 = arith.minsi %add3A_61, %min3A : i32
      %mul3A_63 = arith.constant 128 : i32
      %mul3A_64 = arith.muli %min3A_62, %mul3A_63 : i32
      %add3A_65 = arith.addi %mul3A_6, %mul3A_64 : i32
      "tpu.region"() ({
        %run_scoped3A = tpu.sem_alloc : memref<!tpu.dma_semaphore, #tpu.memory_space<semaphore_mem>>
        %dma_start3A_101 = tpu.memref_slice %arg2[%add3A_65] : memref<327680xi32, #tpu.memory_space<hbm>> -> memref<128xi32, #tpu.memory_space<hbm>>
        %dma_start3A_102 = tpu.memref_slice %arg2[%add3A_65] : memref<327680xi32, #tpu.memory_space<hbm>> -> memref<128xi32, #tpu.memory_space<hbm>>
        tpu.enqueue_dma source(%dma_start3A_102 : memref<128xi32, #tpu.memory_space<hbm>>) target(%arg7 : memref<128xi32, #tpu.memory_space<vmem>>) target_semaphore(%run_scoped3A : memref<!tpu.dma_semaphore, #tpu.memory_space<semaphore_mem>>)
        %dma_wait3A_103 = tpu.memref_slice %arg2[%add3A_65] : memref<327680xi32, #tpu.memory_space<hbm>> -> memref<128xi32, #tpu.memory_space<hbm>>
        %dma_wait3A_104 = tpu.memref_slice %arg2[%add3A_65] : memref<327680xi32, #tpu.memory_space<hbm>> -> memref<128xi32, #tpu.memory_space<hbm>>
        tpu.wait_dma2 semaphore(%run_scoped3A : memref<!tpu.dma_semaphore, #tpu.memory_space<semaphore_mem>>) src(%dma_wait3A_104 : memref<128xi32, #tpu.memory_space<hbm>>) dst(%arg7 : memref<128xi32, #tpu.memory_space<vmem>>)
        tpu.yield
      }) : () -> ()
      %dma_start3A_66 = arith.constant 0 : i32
      %dma_start3A_67 = arith.constant 0 : i32
      %dma_start3A_68 = tpu.memref_slice %arg4[%dma_start3A_66, %dma_start3A_67] : memref<10000x128xf32, #tpu.memory_space<hbm>> -> memref<10000x128xf32, #tpu.memory_space<hbm>>
      tpu.enqueue_indirect_dma source(%dma_start3A_68 : memref<10000x128xf32, #tpu.memory_space<hbm>>) target(%arg9 : memref<128x128xf32, #tpu.memory_space<vmem>>) offsets(%arg7 : memref<128xi32, #tpu.memory_space<vmem>>) semaphore(%arg11 : memref<!tpu.dma_semaphore, #tpu.memory_space<semaphore_mem>>)
      %mul3A_69 = arith.constant 128 : i32
      %mul3A_70 = arith.muli %min3A_62, %mul3A_69 : i32
      %add3A_71 = arith.addi %mul3A_6, %mul3A_70 : i32
      %dma_start3A_72 = tpu.memref_slice %arg3[%add3A_71] : memref<327680xi32, #tpu.memory_space<hbm>> -> memref<128xi32, #tpu.memory_space<hbm>>
      %dma_start3A_73 = tpu.memref_slice %arg3[%add3A_71] : memref<327680xi32, #tpu.memory_space<hbm>> -> memref<128xi32, #tpu.memory_space<hbm>>
      tpu.enqueue_dma source(%dma_start3A_73 : memref<128xi32, #tpu.memory_space<hbm>>) target(%arg13 : memref<128xi32, #tpu.memory_space<vmem>>) target_semaphore(%arg15 : memref<!tpu.dma_semaphore, #tpu.memory_space<semaphore_mem>>)
      %mul3A_74 = arith.constant 2 : i32
      %mul3A_75 = arith.muli %scan3A_47, %mul3A_74 : i32
      %add3A_76 = arith.constant 1 : i32
      %add3A_77 = arith.addi %mul3A_75, %add3A_76 : i32
      %dma_wait3A_78 = arith.constant 0 : i32
      %dma_wait3A_79 = arith.constant 0 : i32
      %dma_wait3A_80 = tpu.memref_slice %arg4[%dma_wait3A_78, %dma_wait3A_79] : memref<10000x128xf32, #tpu.memory_space<hbm>> -> memref<10000x128xf32, #tpu.memory_space<hbm>>
      tpu.wait_indirect_dma semaphore(%arg12 : memref<!tpu.dma_semaphore, #tpu.memory_space<semaphore_mem>>) src(%dma_wait3A_80 : memref<10000x128xf32, #tpu.memory_space<hbm>>) dst(%arg10 : memref<128x128xf32, #tpu.memory_space<vmem>>)
      %mul3A_81 = arith.constant 128 : i32
      %mul3A_82 = arith.muli %add3A_77, %mul3A_81 : i32
      %add3A_83 = arith.addi %mul3A_6, %mul3A_82 : i32
      %dma_wait3A_84 = tpu.memref_slice %arg3[%add3A_83] : memref<327680xi32, #tpu.memory_space<hbm>> -> memref<128xi32, #tpu.memory_space<hbm>>
      %dma_wait3A_85 = tpu.memref_slice %arg3[%add3A_83] : memref<327680xi32, #tpu.memory_space<hbm>> -> memref<128xi32, #tpu.memory_space<hbm>>
      tpu.wait_dma2 semaphore(%arg16 : memref<!tpu.dma_semaphore, #tpu.memory_space<semaphore_mem>>) src(%dma_wait3A_85 : memref<128xi32, #tpu.memory_space<hbm>>) dst(%arg14 : memref<128xi32, #tpu.memory_space<vmem>>)
      "tpu.region"() ({
        %run_scoped3A = tpu.sem_alloc : memref<!tpu.dma_semaphore, #tpu.memory_space<semaphore_mem>>
        %dma_start3A_101 = arith.constant 0 : i32
        %dma_start3A_102 = arith.constant 0 : i32
        %dma_start3A_103 = tpu.memref_slice %arg17[%dma_start3A_101, %dma_start3A_102] : memref<10112x128xf32, #tpu.memory_space<vmem_shared>> -> memref<10112x128xf32, #tpu.memory_space<vmem_shared>>
        tpu.enqueue_indirect_dma source(%arg10 : memref<128x128xf32, #tpu.memory_space<vmem>>) target(%dma_start3A_103 : memref<10112x128xf32, #tpu.memory_space<vmem_shared>>) offsets(%arg14 : memref<128xi32, #tpu.memory_space<vmem>>) semaphore(%run_scoped3A : memref<!tpu.dma_semaphore, #tpu.memory_space<semaphore_mem>>) {add = true}
        %dma_wait3A_104 = arith.constant 0 : i32
        %dma_wait3A_105 = arith.constant 0 : i32
        %dma_wait3A_106 = tpu.memref_slice %arg17[%dma_wait3A_104, %dma_wait3A_105] : memref<10112x128xf32, #tpu.memory_space<vmem_shared>> -> memref<10112x128xf32, #tpu.memory_space<vmem_shared>>
        tpu.wait_indirect_dma semaphore(%run_scoped3A : memref<!tpu.dma_semaphore, #tpu.memory_space<semaphore_mem>>) src(%arg10 : memref<128x128xf32, #tpu.memory_space<vmem>>) dst(%dma_wait3A_106 : memref<10112x128xf32, #tpu.memory_space<vmem_shared>>)
        tpu.yield
      }) : () -> ()
      %add3A_86 = arith.constant 2 : i32
      %add3A_87 = arith.addi %add3A_77, %add3A_86 : i32
      %min3A_88 = arith.constant 79 : i32
      %min3A_89 = arith.minsi %add3A_87, %min3A_88 : i32
      %mul3A_90 = arith.constant 128 : i32
      %mul3A_91 = arith.muli %min3A_89, %mul3A_90 : i32
      %add3A_92 = arith.addi %mul3A_6, %mul3A_91 : i32
      "tpu.region"() ({
        %run_scoped3A = tpu.sem_alloc : memref<!tpu.dma_semaphore, #tpu.memory_space<semaphore_mem>>
        %dma_start3A_101 = tpu.memref_slice %arg2[%add3A_92] : memref<327680xi32, #tpu.memory_space<hbm>> -> memref<128xi32, #tpu.memory_space<hbm>>
        %dma_start3A_102 = tpu.memref_slice %arg2[%add3A_92] : memref<327680xi32, #tpu.memory_space<hbm>> -> memref<128xi32, #tpu.memory_space<hbm>>
        tpu.enqueue_dma source(%dma_start3A_102 : memref<128xi32, #tpu.memory_space<hbm>>) target(%arg8 : memref<128xi32, #tpu.memory_space<vmem>>) target_semaphore(%run_scoped3A : memref<!tpu.dma_semaphore, #tpu.memory_space<semaphore_mem>>)
        %dma_wait3A_103 = tpu.memref_slice %arg2[%add3A_92] : memref<327680xi32, #tpu.memory_space<hbm>> -> memref<128xi32, #tpu.memory_space<hbm>>
        %dma_wait3A_104 = tpu.memref_slice %arg2[%add3A_92] : memref<327680xi32, #tpu.memory_space<hbm>> -> memref<128xi32, #tpu.memory_space<hbm>>
        tpu.wait_dma2 semaphore(%run_scoped3A : memref<!tpu.dma_semaphore, #tpu.memory_space<semaphore_mem>>) src(%dma_wait3A_104 : memref<128xi32, #tpu.memory_space<hbm>>) dst(%arg8 : memref<128xi32, #tpu.memory_space<vmem>>)
        tpu.yield
      }) : () -> ()
      %dma_start3A_93 = arith.constant 0 : i32
      %dma_start3A_94 = arith.constant 0 : i32
      %dma_start3A_95 = tpu.memref_slice %arg4[%dma_start3A_93, %dma_start3A_94] : memref<10000x128xf32, #tpu.memory_space<hbm>> -> memref<10000x128xf32, #tpu.memory_space<hbm>>
      tpu.enqueue_indirect_dma source(%dma_start3A_95 : memref<10000x128xf32, #tpu.memory_space<hbm>>) target(%arg10 : memref<128x128xf32, #tpu.memory_space<vmem>>) offsets(%arg8 : memref<128xi32, #tpu.memory_space<vmem>>) semaphore(%arg12 : memref<!tpu.dma_semaphore, #tpu.memory_space<semaphore_mem>>)
      %mul3A_96 = arith.constant 128 : i32
      %mul3A_97 = arith.muli %min3A_89, %mul3A_96 : i32
      %add3A_98 = arith.addi %mul3A_6, %mul3A_97 : i32
      %dma_start3A_99 = tpu.memref_slice %arg3[%add3A_98] : memref<327680xi32, #tpu.memory_space<hbm>> -> memref<128xi32, #tpu.memory_space<hbm>>
      %dma_start3A_100 = tpu.memref_slice %arg3[%add3A_98] : memref<327680xi32, #tpu.memory_space<hbm>> -> memref<128xi32, #tpu.memory_space<hbm>>
      tpu.enqueue_dma source(%dma_start3A_100 : memref<128xi32, #tpu.memory_space<hbm>>) target(%arg14 : memref<128xi32, #tpu.memory_space<vmem>>) target_semaphore(%arg16 : memref<!tpu.dma_semaphore, #tpu.memory_space<semaphore_mem>>)
    }
    %scan3A_28 = arith.constant 40 : i32
    %dma_wait3A = arith.constant 0 : i32
    %dma_wait3A_29 = arith.constant 0 : i32
    %dma_wait3A_30 = tpu.memref_slice %arg4[%dma_wait3A, %dma_wait3A_29] : memref<10000x128xf32, #tpu.memory_space<hbm>> -> memref<10000x128xf32, #tpu.memory_space<hbm>>
    tpu.wait_indirect_dma semaphore(%arg11 : memref<!tpu.dma_semaphore, #tpu.memory_space<semaphore_mem>>) src(%dma_wait3A_30 : memref<10000x128xf32, #tpu.memory_space<hbm>>) dst(%arg9 : memref<128x128xf32, #tpu.memory_space<vmem>>)
    %dma_wait3A_31 = arith.constant 0 : i32
    %dma_wait3A_32 = tpu.memref_slice %arg3[%dma_wait3A_31] : memref<327680xi32, #tpu.memory_space<hbm>> -> memref<128xi32, #tpu.memory_space<hbm>>
    %dma_wait3A_33 = arith.constant 0 : i32
    %dma_wait3A_34 = tpu.memref_slice %arg3[%dma_wait3A_33] : memref<327680xi32, #tpu.memory_space<hbm>> -> memref<128xi32, #tpu.memory_space<hbm>>
    tpu.wait_dma2 semaphore(%arg15 : memref<!tpu.dma_semaphore, #tpu.memory_space<semaphore_mem>>) src(%dma_wait3A_34 : memref<128xi32, #tpu.memory_space<hbm>>) dst(%arg13 : memref<128xi32, #tpu.memory_space<vmem>>)
    %dma_wait3A_35 = arith.constant 0 : i32
    %dma_wait3A_36 = arith.constant 0 : i32
    %dma_wait3A_37 = tpu.memref_slice %arg4[%dma_wait3A_35, %dma_wait3A_36] : memref<10000x128xf32, #tpu.memory_space<hbm>> -> memref<10000x128xf32, #tpu.memory_space<hbm>>
    tpu.wait_indirect_dma semaphore(%arg12 : memref<!tpu.dma_semaphore, #tpu.memory_space<semaphore_mem>>) src(%dma_wait3A_37 : memref<10000x128xf32, #tpu.memory_space<hbm>>) dst(%arg10 : memref<128x128xf32, #tpu.memory_space<vmem>>)
    %dma_wait3A_38 = arith.constant 0 : i32
    %dma_wait3A_39 = tpu.memref_slice %arg3[%dma_wait3A_38] : memref<327680xi32, #tpu.memory_space<hbm>> -> memref<128xi32, #tpu.memory_space<hbm>>
    %dma_wait3A_40 = arith.constant 0 : i32
    %dma_wait3A_41 = tpu.memref_slice %arg3[%dma_wait3A_40] : memref<327680xi32, #tpu.memory_space<hbm>> -> memref<128xi32, #tpu.memory_space<hbm>>
    tpu.wait_dma2 semaphore(%arg16 : memref<!tpu.dma_semaphore, #tpu.memory_space<semaphore_mem>>) src(%dma_wait3A_41 : memref<128xi32, #tpu.memory_space<hbm>>) dst(%arg14 : memref<128xi32, #tpu.memory_space<vmem>>)
    %barrier3A_42 = arith.constant 0 : index
    tpu.barrier barrier_id(%barrier3A_42)
    %mul3A_43 = arith.constant 632 : i32
    %mul3A_44 = arith.muli %arg1, %mul3A_43 : i32
    %mul3A_45 = arith.constant 632 : i32
    %mul3A_46 = arith.muli %arg1, %mul3A_45 : i32
    "tpu.region"() ({
      %run_scoped3A = tpu.sem_alloc : memref<!tpu.dma_semaphore, #tpu.memory_space<semaphore_mem>>
      %dma_start3A_47 = arith.constant 0 : i32
      %dma_start3A_48 = tpu.memref_slice %arg6[%arg0, %mul3A_46, %dma_start3A_47] : memref<2x10112x128xf32, #tpu.memory_space<hbm>> -> memref<1x632x128xf32, #tpu.memory_space<hbm>>
      %dma_start3A_49 = tpu.memref_squeeze %dma_start3A_48 : memref<1x632x128xf32, #tpu.memory_space<hbm>> -> memref<632x128xf32, #tpu.memory_space<hbm>>
      %dma_start3A_50 = arith.constant 0 : i32
      %dma_start3A_51 = tpu.memref_slice %arg17[%mul3A_44, %dma_start3A_50] : memref<10112x128xf32, #tpu.memory_space<vmem_shared>> -> memref<632x128xf32, #tpu.memory_space<vmem_shared>>
      tpu.enqueue_dma source(%dma_start3A_51 : memref<632x128xf32, #tpu.memory_space<vmem_shared>>) target(%dma_start3A_49 : memref<632x128xf32, #tpu.memory_space<hbm>>) target_semaphore(%run_scoped3A : memref<!tpu.dma_semaphore, #tpu.memory_space<semaphore_mem>>)
      %dma_wait3A_52 = arith.constant 0 : i32
      %dma_wait3A_53 = tpu.memref_slice %arg6[%arg0, %mul3A_46, %dma_wait3A_52] : memref<2x10112x128xf32, #tpu.memory_space<hbm>> -> memref<1x632x128xf32, #tpu.memory_space<hbm>>
      %dma_wait3A_54 = tpu.memref_squeeze %dma_wait3A_53 : memref<1x632x128xf32, #tpu.memory_space<hbm>> -> memref<632x128xf32, #tpu.memory_space<hbm>>
      %dma_wait3A_55 = arith.constant 0 : i32
      %dma_wait3A_56 = tpu.memref_slice %arg17[%mul3A_44, %dma_wait3A_55] : memref<10112x128xf32, #tpu.memory_space<vmem_shared>> -> memref<632x128xf32, #tpu.memory_space<vmem_shared>>
      tpu.wait_dma2 semaphore(%run_scoped3A : memref<!tpu.dma_semaphore, #tpu.memory_space<semaphore_mem>>) src(%dma_wait3A_56 : memref<632x128xf32, #tpu.memory_space<vmem_shared>>) dst(%dma_wait3A_54 : memref<632x128xf32, #tpu.memory_space<hbm>>)
      tpu.yield
    }) : () -> ()
    return
  }
}

#map = affine_map<(d0, d1) -> (0)>
#map1 = affine_map<(d0, d1) -> (0, 0)>
#map2 = affine_map<(d0, d1) -> (0, 0, 0)>
module attributes {stable_mosaic.version = 14 : i64} {
  func.func @_scat_body(%arg0: i32, %arg1: i32, %arg2: memref<327680xi32, #tpu.memory_space<hbm>>, %arg3: memref<327680xi32, #tpu.memory_space<hbm>>, %arg4: memref<10000x128xf32, #tpu.memory_space<hbm>>, %arg5: memref<10112x128xf32, #tpu.memory_space<hbm>>, %arg6: memref<2x10112x128xf32, #tpu.memory_space<hbm>>, %arg7: memref<128xi32, #tpu.memory_space<vmem>>, %arg8: memref<128xi32, #tpu.memory_space<vmem>>, %arg9: memref<128x128xf32, #tpu.memory_space<vmem>>, %arg10: memref<128x128xf32, #tpu.memory_space<vmem>>, %arg11: memref<!tpu.dma_semaphore, #tpu.memory_space<semaphore_mem>>, %arg12: memref<!tpu.dma_semaphore, #tpu.memory_space<semaphore_mem>>, %arg13: memref<128xi32, #tpu.memory_space<vmem>>, %arg14: memref<128xi32, #tpu.memory_space<vmem>>, %arg15: memref<!tpu.dma_semaphore, #tpu.memory_space<semaphore_mem>>, %arg16: memref<!tpu.dma_semaphore, #tpu.memory_space<semaphore_mem>>, %arg17: memref<10112x128xf32, #tpu.memory_space<vmem_shared>>) attributes {dimension_semantics = [#tpu.dimension_semantics<core_parallel>, #tpu.dimension_semantics<subcore_parallel>], iteration_bounds = array<i64: 2, 16>, scalar_prefetch = 0 : i64, scratch_operands = 11 : i64, tpu.core_type = #tpu.core_type<sc_vector_subcore>, window_params = [{transform_indices = #map}, {transform_indices = #map}, {transform_indices = #map1}, {transform_indices = #map1}, {transform_indices = #map2}]} {
    %mul3A = arith.constant 16 : i32
    %mul3A_0 = arith.muli %arg0, %mul3A : i32
    %add3A = arith.addi %mul3A_0, %arg1 : i32
    %mul3A_1 = arith.constant 632 : i32
    %mul3A_2 = arith.muli %arg1, %mul3A_1 : i32
    %mul3A_3 = arith.constant 632 : i32
    %mul3A_4 = arith.muli %arg1, %mul3A_3 : i32
    "tpu.region"() ({
      %run_scoped3A = tpu.sem_alloc : memref<!tpu.dma_semaphore, #tpu.memory_space<semaphore_mem>>
      %dma_start3A_47 = arith.constant 0 : i32
      %dma_start3A_48 = tpu.memref_slice %arg17[%mul3A_4, %dma_start3A_47] : memref<10112x128xf32, #tpu.memory_space<vmem_shared>> -> memref<632x128xf32, #tpu.memory_space<vmem_shared>>
      %dma_start3A_49 = arith.constant 0 : i32
      %dma_start3A_50 = tpu.memref_slice %arg5[%mul3A_2, %dma_start3A_49] : memref<10112x128xf32, #tpu.memory_space<hbm>> -> memref<632x128xf32, #tpu.memory_space<hbm>>
      tpu.enqueue_dma source(%dma_start3A_50 : memref<632x128xf32, #tpu.memory_space<hbm>>) target(%dma_start3A_48 : memref<632x128xf32, #tpu.memory_space<vmem_shared>>) target_semaphore(%run_scoped3A : memref<!tpu.dma_semaphore, #tpu.memory_space<semaphore_mem>>)
      %dma_wait3A_51 = arith.constant 0 : i32
      %dma_wait3A_52 = tpu.memref_slice %arg17[%mul3A_4, %dma_wait3A_51] : memref<10112x128xf32, #tpu.memory_space<vmem_shared>> -> memref<632x128xf32, #tpu.memory_space<vmem_shared>>
      %dma_wait3A_53 = arith.constant 0 : i32
      %dma_wait3A_54 = tpu.memref_slice %arg5[%mul3A_2, %dma_wait3A_53] : memref<10112x128xf32, #tpu.memory_space<hbm>> -> memref<632x128xf32, #tpu.memory_space<hbm>>
      tpu.wait_dma2 semaphore(%run_scoped3A : memref<!tpu.dma_semaphore, #tpu.memory_space<semaphore_mem>>) src(%dma_wait3A_54 : memref<632x128xf32, #tpu.memory_space<hbm>>) dst(%dma_wait3A_52 : memref<632x128xf32, #tpu.memory_space<vmem_shared>>)
      tpu.yield
    }) : () -> ()
    %barrier3A = arith.constant 0 : index
    tpu.barrier barrier_id(%barrier3A)
    %mul3A_5 = arith.constant 10240 : i32
    %mul3A_6 = arith.muli %add3A, %mul3A_5 : i32
    %add3A_7 = arith.constant 0 : i32
    %add3A_8 = arith.addi %mul3A_6, %add3A_7 : i32
    "tpu.region"() ({
      %run_scoped3A = tpu.sem_alloc : memref<!tpu.dma_semaphore, #tpu.memory_space<semaphore_mem>>
      %dma_start3A_47 = tpu.memref_slice %arg2[%add3A_8] : memref<327680xi32, #tpu.memory_space<hbm>> -> memref<128xi32, #tpu.memory_space<hbm>>
      %dma_start3A_48 = tpu.memref_slice %arg2[%add3A_8] : memref<327680xi32, #tpu.memory_space<hbm>> -> memref<128xi32, #tpu.memory_space<hbm>>
      tpu.enqueue_dma source(%dma_start3A_48 : memref<128xi32, #tpu.memory_space<hbm>>) target(%arg7 : memref<128xi32, #tpu.memory_space<vmem>>) target_semaphore(%run_scoped3A : memref<!tpu.dma_semaphore, #tpu.memory_space<semaphore_mem>>)
      %dma_wait3A_49 = tpu.memref_slice %arg2[%add3A_8] : memref<327680xi32, #tpu.memory_space<hbm>> -> memref<128xi32, #tpu.memory_space<hbm>>
      %dma_wait3A_50 = tpu.memref_slice %arg2[%add3A_8] : memref<327680xi32, #tpu.memory_space<hbm>> -> memref<128xi32, #tpu.memory_space<hbm>>
      tpu.wait_dma2 semaphore(%run_scoped3A : memref<!tpu.dma_semaphore, #tpu.memory_space<semaphore_mem>>) src(%dma_wait3A_50 : memref<128xi32, #tpu.memory_space<hbm>>) dst(%arg7 : memref<128xi32, #tpu.memory_space<vmem>>)
      tpu.yield
    }) : () -> ()
    %dma_start3A = arith.constant 0 : i32
    %dma_start3A_9 = arith.constant 0 : i32
    %dma_start3A_10 = tpu.memref_slice %arg4[%dma_start3A, %dma_start3A_9] : memref<10000x128xf32, #tpu.memory_space<hbm>> -> memref<10000x128xf32, #tpu.memory_space<hbm>>
    tpu.enqueue_indirect_dma source(%dma_start3A_10 : memref<10000x128xf32, #tpu.memory_space<hbm>>) target(%arg9 : memref<128x128xf32, #tpu.memory_space<vmem>>) offsets(%arg7 : memref<128xi32, #tpu.memory_space<vmem>>) semaphore(%arg11 : memref<!tpu.dma_semaphore, #tpu.memory_space<semaphore_mem>>)
    %add3A_11 = arith.constant 0 : i32
    %add3A_12 = arith.addi %mul3A_6, %add3A_11 : i32
    %dma_start3A_13 = tpu.memref_slice %arg3[%add3A_12] : memref<327680xi32, #tpu.memory_space<hbm>> -> memref<128xi32, #tpu.memory_space<hbm>>
    %dma_start3A_14 = tpu.memref_slice %arg3[%add3A_12] : memref<327680xi32, #tpu.memory_space<hbm>> -> memref<128xi32, #tpu.memory_space<hbm>>
    tpu.enqueue_dma source(%dma_start3A_14 : memref<128xi32, #tpu.memory_space<hbm>>) target(%arg13 : memref<128xi32, #tpu.memory_space<vmem>>) target_semaphore(%arg15 : memref<!tpu.dma_semaphore, #tpu.memory_space<semaphore_mem>>)
    %add3A_15 = arith.constant 128 : i32
    %add3A_16 = arith.addi %mul3A_6, %add3A_15 : i32
    "tpu.region"() ({
      %run_scoped3A = tpu.sem_alloc : memref<!tpu.dma_semaphore, #tpu.memory_space<semaphore_mem>>
      %dma_start3A_47 = tpu.memref_slice %arg2[%add3A_16] : memref<327680xi32, #tpu.memory_space<hbm>> -> memref<128xi32, #tpu.memory_space<hbm>>
      %dma_start3A_48 = tpu.memref_slice %arg2[%add3A_16] : memref<327680xi32, #tpu.memory_space<hbm>> -> memref<128xi32, #tpu.memory_space<hbm>>
      tpu.enqueue_dma source(%dma_start3A_48 : memref<128xi32, #tpu.memory_space<hbm>>) target(%arg8 : memref<128xi32, #tpu.memory_space<vmem>>) target_semaphore(%run_scoped3A : memref<!tpu.dma_semaphore, #tpu.memory_space<semaphore_mem>>)
      %dma_wait3A_49 = tpu.memref_slice %arg2[%add3A_16] : memref<327680xi32, #tpu.memory_space<hbm>> -> memref<128xi32, #tpu.memory_space<hbm>>
      %dma_wait3A_50 = tpu.memref_slice %arg2[%add3A_16] : memref<327680xi32, #tpu.memory_space<hbm>> -> memref<128xi32, #tpu.memory_space<hbm>>
      tpu.wait_dma2 semaphore(%run_scoped3A : memref<!tpu.dma_semaphore, #tpu.memory_space<semaphore_mem>>) src(%dma_wait3A_50 : memref<128xi32, #tpu.memory_space<hbm>>) dst(%arg8 : memref<128xi32, #tpu.memory_space<vmem>>)
      tpu.yield
    }) : () -> ()
    %dma_start3A_17 = arith.constant 0 : i32
    %dma_start3A_18 = arith.constant 0 : i32
    %dma_start3A_19 = tpu.memref_slice %arg4[%dma_start3A_17, %dma_start3A_18] : memref<10000x128xf32, #tpu.memory_space<hbm>> -> memref<10000x128xf32, #tpu.memory_space<hbm>>
    tpu.enqueue_indirect_dma source(%dma_start3A_19 : memref<10000x128xf32, #tpu.memory_space<hbm>>) target(%arg10 : memref<128x128xf32, #tpu.memory_space<vmem>>) offsets(%arg8 : memref<128xi32, #tpu.memory_space<vmem>>) semaphore(%arg12 : memref<!tpu.dma_semaphore, #tpu.memory_space<semaphore_mem>>)
    %add3A_20 = arith.constant 128 : i32
    %add3A_21 = arith.addi %mul3A_6, %add3A_20 : i32
    %dma_start3A_22 = tpu.memref_slice %arg3[%add3A_21] : memref<327680xi32, #tpu.memory_space<hbm>> -> memref<128xi32, #tpu.memory_space<hbm>>
    %dma_start3A_23 = tpu.memref_slice %arg3[%add3A_21] : memref<327680xi32, #tpu.memory_space<hbm>> -> memref<128xi32, #tpu.memory_space<hbm>>
    tpu.enqueue_dma source(%dma_start3A_23 : memref<128xi32, #tpu.memory_space<hbm>>) target(%arg14 : memref<128xi32, #tpu.memory_space<vmem>>) target_semaphore(%arg16 : memref<!tpu.dma_semaphore, #tpu.memory_space<semaphore_mem>>)
    %scan3A = arith.constant 0 : i32
    %scan3A_24 = arith.constant 0 : i32
    %scan3A_25 = arith.constant 40 : i32
    %scan3A_26 = arith.addi %scan3A_24, %scan3A_25 : i32
    %scan3A_27 = arith.constant 1 : i32
    scf.for %scan3A_47 = %scan3A_24 to %scan3A_26 step %scan3A_27  : i32 {
      %mul3A_48 = arith.constant 2 : i32
      %mul3A_49 = arith.muli %scan3A_47, %mul3A_48 : i32
      %add3A_50 = arith.constant 0 : i32
      %add3A_51 = arith.addi %mul3A_49, %add3A_50 : i32
      %dma_wait3A_52 = arith.constant 0 : i32
      %dma_wait3A_53 = arith.constant 0 : i32
      %dma_wait3A_54 = tpu.memref_slice %arg4[%dma_wait3A_52, %dma_wait3A_53] : memref<10000x128xf32, #tpu.memory_space<hbm>> -> memref<10000x128xf32, #tpu.memory_space<hbm>>
      tpu.wait_indirect_dma semaphore(%arg11 : memref<!tpu.dma_semaphore, #tpu.memory_space<semaphore_mem>>) src(%dma_wait3A_54 : memref<10000x128xf32, #tpu.memory_space<hbm>>) dst(%arg9 : memref<128x128xf32, #tpu.memory_space<vmem>>)
      %mul3A_55 = arith.constant 128 : i32
      %mul3A_56 = arith.muli %add3A_51, %mul3A_55 : i32
      %add3A_57 = arith.addi %mul3A_6, %mul3A_56 : i32
      %dma_wait3A_58 = tpu.memref_slice %arg3[%add3A_57] : memref<327680xi32, #tpu.memory_space<hbm>> -> memref<128xi32, #tpu.memory_space<hbm>>
      %dma_wait3A_59 = tpu.memref_slice %arg3[%add3A_57] : memref<327680xi32, #tpu.memory_space<hbm>> -> memref<128xi32, #tpu.memory_space<hbm>>
      tpu.wait_dma2 semaphore(%arg15 : memref<!tpu.dma_semaphore, #tpu.memory_space<semaphore_mem>>) src(%dma_wait3A_59 : memref<128xi32, #tpu.memory_space<hbm>>) dst(%arg13 : memref<128xi32, #tpu.memory_space<vmem>>)
      "tpu.region"() ({
        %run_scoped3A = tpu.sem_alloc : memref<!tpu.dma_semaphore, #tpu.memory_space<semaphore_mem>>
        %dma_start3A_101 = arith.constant 0 : i32
        %dma_start3A_102 = arith.constant 0 : i32
        %dma_start3A_103 = tpu.memref_slice %arg17[%dma_start3A_101, %dma_start3A_102] : memref<10112x128xf32, #tpu.memory_space<vmem_shared>> -> memref<10112x128xf32, #tpu.memory_space<vmem_shared>>
        tpu.enqueue_indirect_dma source(%arg9 : memref<128x128xf32, #tpu.memory_space<vmem>>) target(%dma_start3A_103 : memref<10112x128xf32, #tpu.memory_space<vmem_shared>>) offsets(%arg13 : memref<128xi32, #tpu.memory_space<vmem>>) semaphore(%run_scoped3A : memref<!tpu.dma_semaphore, #tpu.memory_space<semaphore_mem>>) {add = true}
        %dma_wait3A_104 = arith.constant 0 : i32
        %dma_wait3A_105 = arith.constant 0 : i32
        %dma_wait3A_106 = tpu.memref_slice %arg17[%dma_wait3A_104, %dma_wait3A_105] : memref<10112x128xf32, #tpu.memory_space<vmem_shared>> -> memref<10112x128xf32, #tpu.memory_space<vmem_shared>>
        tpu.wait_indirect_dma semaphore(%run_scoped3A : memref<!tpu.dma_semaphore, #tpu.memory_space<semaphore_mem>>) src(%arg9 : memref<128x128xf32, #tpu.memory_space<vmem>>) dst(%dma_wait3A_106 : memref<10112x128xf32, #tpu.memory_space<vmem_shared>>)
        tpu.yield
      }) : () -> ()
      %add3A_60 = arith.constant 2 : i32
      %add3A_61 = arith.addi %add3A_51, %add3A_60 : i32
      %min3A = arith.constant 79 : i32
      %min3A_62 = arith.minsi %add3A_61, %min3A : i32
      %mul3A_63 = arith.constant 128 : i32
      %mul3A_64 = arith.muli %min3A_62, %mul3A_63 : i32
      %add3A_65 = arith.addi %mul3A_6, %mul3A_64 : i32
      "tpu.region"() ({
        %run_scoped3A = tpu.sem_alloc : memref<!tpu.dma_semaphore, #tpu.memory_space<semaphore_mem>>
        %dma_start3A_101 = tpu.memref_slice %arg2[%add3A_65] : memref<327680xi32, #tpu.memory_space<hbm>> -> memref<128xi32, #tpu.memory_space<hbm>>
        %dma_start3A_102 = tpu.memref_slice %arg2[%add3A_65] : memref<327680xi32, #tpu.memory_space<hbm>> -> memref<128xi32, #tpu.memory_space<hbm>>
        tpu.enqueue_dma source(%dma_start3A_102 : memref<128xi32, #tpu.memory_space<hbm>>) target(%arg7 : memref<128xi32, #tpu.memory_space<vmem>>) target_semaphore(%run_scoped3A : memref<!tpu.dma_semaphore, #tpu.memory_space<semaphore_mem>>)
        %dma_wait3A_103 = tpu.memref_slice %arg2[%add3A_65] : memref<327680xi32, #tpu.memory_space<hbm>> -> memref<128xi32, #tpu.memory_space<hbm>>
        %dma_wait3A_104 = tpu.memref_slice %arg2[%add3A_65] : memref<327680xi32, #tpu.memory_space<hbm>> -> memref<128xi32, #tpu.memory_space<hbm>>
        tpu.wait_dma2 semaphore(%run_scoped3A : memref<!tpu.dma_semaphore, #tpu.memory_space<semaphore_mem>>) src(%dma_wait3A_104 : memref<128xi32, #tpu.memory_space<hbm>>) dst(%arg7 : memref<128xi32, #tpu.memory_space<vmem>>)
        tpu.yield
      }) : () -> ()
      %dma_start3A_66 = arith.constant 0 : i32
      %dma_start3A_67 = arith.constant 0 : i32
      %dma_start3A_68 = tpu.memref_slice %arg4[%dma_start3A_66, %dma_start3A_67] : memref<10000x128xf32, #tpu.memory_space<hbm>> -> memref<10000x128xf32, #tpu.memory_space<hbm>>
      tpu.enqueue_indirect_dma source(%dma_start3A_68 : memref<10000x128xf32, #tpu.memory_space<hbm>>) target(%arg9 : memref<128x128xf32, #tpu.memory_space<vmem>>) offsets(%arg7 : memref<128xi32, #tpu.memory_space<vmem>>) semaphore(%arg11 : memref<!tpu.dma_semaphore, #tpu.memory_space<semaphore_mem>>)
      %mul3A_69 = arith.constant 128 : i32
      %mul3A_70 = arith.muli %min3A_62, %mul3A_69 : i32
      %add3A_71 = arith.addi %mul3A_6, %mul3A_70 : i32
      %dma_start3A_72 = tpu.memref_slice %arg3[%add3A_71] : memref<327680xi32, #tpu.memory_space<hbm>> -> memref<128xi32, #tpu.memory_space<hbm>>
      %dma_start3A_73 = tpu.memref_slice %arg3[%add3A_71] : memref<327680xi32, #tpu.memory_space<hbm>> -> memref<128xi32, #tpu.memory_space<hbm>>
      tpu.enqueue_dma source(%dma_start3A_73 : memref<128xi32, #tpu.memory_space<hbm>>) target(%arg13 : memref<128xi32, #tpu.memory_space<vmem>>) target_semaphore(%arg15 : memref<!tpu.dma_semaphore, #tpu.memory_space<semaphore_mem>>)
      %mul3A_74 = arith.constant 2 : i32
      %mul3A_75 = arith.muli %scan3A_47, %mul3A_74 : i32
      %add3A_76 = arith.constant 1 : i32
      %add3A_77 = arith.addi %mul3A_75, %add3A_76 : i32
      %dma_wait3A_78 = arith.constant 0 : i32
      %dma_wait3A_79 = arith.constant 0 : i32
      %dma_wait3A_80 = tpu.memref_slice %arg4[%dma_wait3A_78, %dma_wait3A_79] : memref<10000x128xf32, #tpu.memory_space<hbm>> -> memref<10000x128xf32, #tpu.memory_space<hbm>>
      tpu.wait_indirect_dma semaphore(%arg12 : memref<!tpu.dma_semaphore, #tpu.memory_space<semaphore_mem>>) src(%dma_wait3A_80 : memref<10000x128xf32, #tpu.memory_space<hbm>>) dst(%arg10 : memref<128x128xf32, #tpu.memory_space<vmem>>)
      %mul3A_81 = arith.constant 128 : i32
      %mul3A_82 = arith.muli %add3A_77, %mul3A_81 : i32
      %add3A_83 = arith.addi %mul3A_6, %mul3A_82 : i32
      %dma_wait3A_84 = tpu.memref_slice %arg3[%add3A_83] : memref<327680xi32, #tpu.memory_space<hbm>> -> memref<128xi32, #tpu.memory_space<hbm>>
      %dma_wait3A_85 = tpu.memref_slice %arg3[%add3A_83] : memref<327680xi32, #tpu.memory_space<hbm>> -> memref<128xi32, #tpu.memory_space<hbm>>
      tpu.wait_dma2 semaphore(%arg16 : memref<!tpu.dma_semaphore, #tpu.memory_space<semaphore_mem>>) src(%dma_wait3A_85 : memref<128xi32, #tpu.memory_space<hbm>>) dst(%arg14 : memref<128xi32, #tpu.memory_space<vmem>>)
      "tpu.region"() ({
        %run_scoped3A = tpu.sem_alloc : memref<!tpu.dma_semaphore, #tpu.memory_space<semaphore_mem>>
        %dma_start3A_101 = arith.constant 0 : i32
        %dma_start3A_102 = arith.constant 0 : i32
        %dma_start3A_103 = tpu.memref_slice %arg17[%dma_start3A_101, %dma_start3A_102] : memref<10112x128xf32, #tpu.memory_space<vmem_shared>> -> memref<10112x128xf32, #tpu.memory_space<vmem_shared>>
        tpu.enqueue_indirect_dma source(%arg10 : memref<128x128xf32, #tpu.memory_space<vmem>>) target(%dma_start3A_103 : memref<10112x128xf32, #tpu.memory_space<vmem_shared>>) offsets(%arg14 : memref<128xi32, #tpu.memory_space<vmem>>) semaphore(%run_scoped3A : memref<!tpu.dma_semaphore, #tpu.memory_space<semaphore_mem>>) {add = true}
        %dma_wait3A_104 = arith.constant 0 : i32
        %dma_wait3A_105 = arith.constant 0 : i32
        %dma_wait3A_106 = tpu.memref_slice %arg17[%dma_wait3A_104, %dma_wait3A_105] : memref<10112x128xf32, #tpu.memory_space<vmem_shared>> -> memref<10112x128xf32, #tpu.memory_space<vmem_shared>>
        tpu.wait_indirect_dma semaphore(%run_scoped3A : memref<!tpu.dma_semaphore, #tpu.memory_space<semaphore_mem>>) src(%arg10 : memref<128x128xf32, #tpu.memory_space<vmem>>) dst(%dma_wait3A_106 : memref<10112x128xf32, #tpu.memory_space<vmem_shared>>)
        tpu.yield
      }) : () -> ()
      %add3A_86 = arith.constant 2 : i32
      %add3A_87 = arith.addi %add3A_77, %add3A_86 : i32
      %min3A_88 = arith.constant 79 : i32
      %min3A_89 = arith.minsi %add3A_87, %min3A_88 : i32
      %mul3A_90 = arith.constant 128 : i32
      %mul3A_91 = arith.muli %min3A_89, %mul3A_90 : i32
      %add3A_92 = arith.addi %mul3A_6, %mul3A_91 : i32
      "tpu.region"() ({
        %run_scoped3A = tpu.sem_alloc : memref<!tpu.dma_semaphore, #tpu.memory_space<semaphore_mem>>
        %dma_start3A_101 = tpu.memref_slice %arg2[%add3A_92] : memref<327680xi32, #tpu.memory_space<hbm>> -> memref<128xi32, #tpu.memory_space<hbm>>
        %dma_start3A_102 = tpu.memref_slice %arg2[%add3A_92] : memref<327680xi32, #tpu.memory_space<hbm>> -> memref<128xi32, #tpu.memory_space<hbm>>
        tpu.enqueue_dma source(%dma_start3A_102 : memref<128xi32, #tpu.memory_space<hbm>>) target(%arg8 : memref<128xi32, #tpu.memory_space<vmem>>) target_semaphore(%run_scoped3A : memref<!tpu.dma_semaphore, #tpu.memory_space<semaphore_mem>>)
        %dma_wait3A_103 = tpu.memref_slice %arg2[%add3A_92] : memref<327680xi32, #tpu.memory_space<hbm>> -> memref<128xi32, #tpu.memory_space<hbm>>
        %dma_wait3A_104 = tpu.memref_slice %arg2[%add3A_92] : memref<327680xi32, #tpu.memory_space<hbm>> -> memref<128xi32, #tpu.memory_space<hbm>>
        tpu.wait_dma2 semaphore(%run_scoped3A : memref<!tpu.dma_semaphore, #tpu.memory_space<semaphore_mem>>) src(%dma_wait3A_104 : memref<128xi32, #tpu.memory_space<hbm>>) dst(%arg8 : memref<128xi32, #tpu.memory_space<vmem>>)
        tpu.yield
      }) : () -> ()
      %dma_start3A_93 = arith.constant 0 : i32
      %dma_start3A_94 = arith.constant 0 : i32
      %dma_start3A_95 = tpu.memref_slice %arg4[%dma_start3A_93, %dma_start3A_94] : memref<10000x128xf32, #tpu.memory_space<hbm>> -> memref<10000x128xf32, #tpu.memory_space<hbm>>
      tpu.enqueue_indirect_dma source(%dma_start3A_95 : memref<10000x128xf32, #tpu.memory_space<hbm>>) target(%arg10 : memref<128x128xf32, #tpu.memory_space<vmem>>) offsets(%arg8 : memref<128xi32, #tpu.memory_space<vmem>>) semaphore(%arg12 : memref<!tpu.dma_semaphore, #tpu.memory_space<semaphore_mem>>)
      %mul3A_96 = arith.constant 128 : i32
      %mul3A_97 = arith.muli %min3A_89, %mul3A_96 : i32
      %add3A_98 = arith.addi %mul3A_6, %mul3A_97 : i32
      %dma_start3A_99 = tpu.memref_slice %arg3[%add3A_98] : memref<327680xi32, #tpu.memory_space<hbm>> -> memref<128xi32, #tpu.memory_space<hbm>>
      %dma_start3A_100 = tpu.memref_slice %arg3[%add3A_98] : memref<327680xi32, #tpu.memory_space<hbm>> -> memref<128xi32, #tpu.memory_space<hbm>>
      tpu.enqueue_dma source(%dma_start3A_100 : memref<128xi32, #tpu.memory_space<hbm>>) target(%arg14 : memref<128xi32, #tpu.memory_space<vmem>>) target_semaphore(%arg16 : memref<!tpu.dma_semaphore, #tpu.memory_space<semaphore_mem>>)
    }
    %scan3A_28 = arith.constant 40 : i32
    %dma_wait3A = arith.constant 0 : i32
    %dma_wait3A_29 = arith.constant 0 : i32
    %dma_wait3A_30 = tpu.memref_slice %arg4[%dma_wait3A, %dma_wait3A_29] : memref<10000x128xf32, #tpu.memory_space<hbm>> -> memref<10000x128xf32, #tpu.memory_space<hbm>>
    tpu.wait_indirect_dma semaphore(%arg11 : memref<!tpu.dma_semaphore, #tpu.memory_space<semaphore_mem>>) src(%dma_wait3A_30 : memref<10000x128xf32, #tpu.memory_space<hbm>>) dst(%arg9 : memref<128x128xf32, #tpu.memory_space<vmem>>)
    %dma_wait3A_31 = arith.constant 0 : i32
    %dma_wait3A_32 = tpu.memref_slice %arg3[%dma_wait3A_31] : memref<327680xi32, #tpu.memory_space<hbm>> -> memref<128xi32, #tpu.memory_space<hbm>>
    %dma_wait3A_33 = arith.constant 0 : i32
    %dma_wait3A_34 = tpu.memref_slice %arg3[%dma_wait3A_33] : memref<327680xi32, #tpu.memory_space<hbm>> -> memref<128xi32, #tpu.memory_space<hbm>>
    tpu.wait_dma2 semaphore(%arg15 : memref<!tpu.dma_semaphore, #tpu.memory_space<semaphore_mem>>) src(%dma_wait3A_34 : memref<128xi32, #tpu.memory_space<hbm>>) dst(%arg13 : memref<128xi32, #tpu.memory_space<vmem>>)
    %dma_wait3A_35 = arith.constant 0 : i32
    %dma_wait3A_36 = arith.constant 0 : i32
    %dma_wait3A_37 = tpu.memref_slice %arg4[%dma_wait3A_35, %dma_wait3A_36] : memref<10000x128xf32, #tpu.memory_space<hbm>> -> memref<10000x128xf32, #tpu.memory_space<hbm>>
    tpu.wait_indirect_dma semaphore(%arg12 : memref<!tpu.dma_semaphore, #tpu.memory_space<semaphore_mem>>) src(%dma_wait3A_37 : memref<10000x128xf32, #tpu.memory_space<hbm>>) dst(%arg10 : memref<128x128xf32, #tpu.memory_space<vmem>>)
    %dma_wait3A_38 = arith.constant 0 : i32
    %dma_wait3A_39 = tpu.memref_slice %arg3[%dma_wait3A_38] : memref<327680xi32, #tpu.memory_space<hbm>> -> memref<128xi32, #tpu.memory_space<hbm>>
    %dma_wait3A_40 = arith.constant 0 : i32
    %dma_wait3A_41 = tpu.memref_slice %arg3[%dma_wait3A_40] : memref<327680xi32, #tpu.memory_space<hbm>> -> memref<128xi32, #tpu.memory_space<hbm>>
    tpu.wait_dma2 semaphore(%arg16 : memref<!tpu.dma_semaphore, #tpu.memory_space<semaphore_mem>>) src(%dma_wait3A_41 : memref<128xi32, #tpu.memory_space<hbm>>) dst(%arg14 : memref<128xi32, #tpu.memory_space<vmem>>)
    %barrier3A_42 = arith.constant 0 : index
    tpu.barrier barrier_id(%barrier3A_42)
    %mul3A_43 = arith.constant 632 : i32
    %mul3A_44 = arith.muli %arg1, %mul3A_43 : i32
    %mul3A_45 = arith.constant 632 : i32
    %mul3A_46 = arith.muli %arg1, %mul3A_45 : i32
    "tpu.region"() ({
      %run_scoped3A = tpu.sem_alloc : memref<!tpu.dma_semaphore, #tpu.memory_space<semaphore_mem>>
      %dma_start3A_47 = arith.constant 0 : i32
      %dma_start3A_48 = tpu.memref_slice %arg6[%arg0, %mul3A_46, %dma_start3A_47] : memref<2x10112x128xf32, #tpu.memory_space<hbm>> -> memref<1x632x128xf32, #tpu.memory_space<hbm>>
      %dma_start3A_49 = tpu.memref_squeeze %dma_start3A_48 : memref<1x632x128xf32, #tpu.memory_space<hbm>> -> memref<632x128xf32, #tpu.memory_space<hbm>>
      %dma_start3A_50 = arith.constant 0 : i32
      %dma_start3A_51 = tpu.memref_slice %arg17[%mul3A_44, %dma_start3A_50] : memref<10112x128xf32, #tpu.memory_space<vmem_shared>> -> memref<632x128xf32, #tpu.memory_space<vmem_shared>>
      tpu.enqueue_dma source(%dma_start3A_51 : memref<632x128xf32, #tpu.memory_space<vmem_shared>>) target(%dma_start3A_49 : memref<632x128xf32, #tpu.memory_space<hbm>>) target_semaphore(%run_scoped3A : memref<!tpu.dma_semaphore, #tpu.memory_space<semaphore_mem>>)
      %dma_wait3A_52 = arith.constant 0 : i32
      %dma_wait3A_53 = tpu.memref_slice %arg6[%arg0, %mul3A_46, %dma_wait3A_52] : memref<2x10112x128xf32, #tpu.memory_space<hbm>> -> memref<1x632x128xf32, #tpu.memory_space<hbm>>
      %dma_wait3A_54 = tpu.memref_squeeze %dma_wait3A_53 : memref<1x632x128xf32, #tpu.memory_space<hbm>> -> memref<632x128xf32, #tpu.memory_space<hbm>>
      %dma_wait3A_55 = arith.constant 0 : i32
      %dma_wait3A_56 = tpu.memref_slice %arg17[%mul3A_44, %dma_wait3A_55] : memref<10112x128xf32, #tpu.memory_space<vmem_shared>> -> memref<632x128xf32, #tpu.memory_space<vmem_shared>>
      tpu.wait_dma2 semaphore(%run_scoped3A : memref<!tpu.dma_semaphore, #tpu.memory_space<semaphore_mem>>) src(%dma_wait3A_56 : memref<632x128xf32, #tpu.memory_space<vmem_shared>>) dst(%dma_wait3A_54 : memref<632x128xf32, #tpu.memory_space<hbm>>)
      tpu.yield
    }) : () -> ()
    return
  }
}

module attributes {stable_mosaic.version = 14 : i64} {
  func.func @_tca_body(%arg0: i32, %arg1: memref<2x1000x128xf32, #tpu.memory_space<vmem>>, %arg2: memref<1000x128xf32, #tpu.memory_space<vmem>>, %arg3: memref<1000x1xf32, #tpu.memory_space<vmem>>, %arg4: memref<1000x128xf32, #tpu.memory_space<vmem>>) attributes {dimension_semantics = [#tpu.dimension_semantics<arbitrary>], iteration_bounds = array<i64: 10>, scalar_prefetch = 0 : i64, scratch_operands = 0 : i64, tpu.core_type = #tpu.core_type<tc>, window_params = [{transform_indices = @transform_0, window_bounds = array<i64: 2, 1000, 128>}, {transform_indices = @transform_1, window_bounds = array<i64: 1000, 128>}, {transform_indices = @transform_2, window_bounds = array<i64: 1000, 1>}, {transform_indices = @transform_3, window_bounds = array<i64: 1000, 128>}]} {
    %get3A = arith.constant 0 : index
    %get3A_0 = arith.constant 0 : index
    %get3A_1 = arith.constant 0 : index
    %get3A_2 = vector.load %arg1[%get3A, %get3A_0, %get3A_1] : memref<2x1000x128xf32, #tpu.memory_space<vmem>>, vector<1x1000x128xf32>
    %get3A_3 = vector.shape_cast %get3A_2 : vector<1x1000x128xf32> to vector<1000x128xf32>
    %get3A_4 = arith.constant 1 : index
    %get3A_5 = arith.constant 0 : index
    %get3A_6 = arith.constant 0 : index
    %get3A_7 = vector.load %arg1[%get3A_4, %get3A_5, %get3A_6] : memref<2x1000x128xf32, #tpu.memory_space<vmem>>, vector<1x1000x128xf32>
    %get3A_8 = vector.shape_cast %get3A_7 : vector<1x1000x128xf32> to vector<1000x128xf32>
    %add3A = arith.addf %get3A_3, %get3A_8 : vector<1000x128xf32>
    %slice3A = vector.extract_strided_slice %add3A {offsets = [0, 0], sizes = [1000, 1], strides = [1, 1]} : vector<1000x128xf32> to vector<1000x1xf32>
    %max3A = arith.constant 1.000000e+00 : f32
    %max3A_9 = vector.broadcast %max3A : f32 to vector<1000x1xf32>
    %max3A_10 = arith.maximumf %slice3A, %max3A_9 : vector<1000x1xf32>
    %rsqrt3A = math.rsqrt %max3A_10 : vector<1000x1xf32>
    %swap3A = arith.constant 0 : index
    %swap3A_11 = arith.constant 0 : index
    %swap3A_12 = vector.load %arg3[%swap3A, %swap3A_11] : memref<1000x1xf32, #tpu.memory_space<vmem>>, vector<1000x1xf32>
    tpu.vector_store %arg3[%swap3A, %swap3A_11], %rsqrt3A {strides = array<i32>} : memref<1000x1xf32, #tpu.memory_space<vmem>>, vector<1000x1xf32>,
    %get3A_13 = arith.constant 0 : index
    %get3A_14 = arith.constant 0 : index
    %get3A_15 = vector.load %arg2[%get3A_13, %get3A_14] : memref<1000x128xf32, #tpu.memory_space<vmem>>, vector<1000x128xf32>
    %mul3A = vector.broadcast %rsqrt3A : vector<1000x1xf32> to vector<1000x128xf32>
    %mul3A_16 = arith.mulf %get3A_15, %mul3A : vector<1000x128xf32>
    %swap3A_17 = arith.constant 0 : index
    %swap3A_18 = arith.constant 0 : index
    %swap3A_19 = vector.load %arg4[%swap3A_17, %swap3A_18] : memref<1000x128xf32, #tpu.memory_space<vmem>>, vector<1000x128xf32>
    tpu.vector_store %arg4[%swap3A_17, %swap3A_18], %mul3A_16 {strides = array<i32>} : memref<1000x128xf32, #tpu.memory_space<vmem>>, vector<1000x128xf32>,
    return
  }
  func.func @transform_0(%arg0: i32) -> (i32, i32, i32) {
    %c0_i32 = arith.constant 0 : i32
    %c0_i32_0 = arith.constant 0 : i32
    %c0_i32_1 = arith.constant 0 : i32
    return %c0_i32, %arg0, %c0_i32_0 : i32, i32, i32
  }
  func.func @transform_1(%arg0: i32) -> (i32, i32) {
    %c0_i32 = arith.constant 0 : i32
    %c0_i32_0 = arith.constant 0 : i32
    return %arg0, %c0_i32 : i32, i32
  }
  func.func @transform_2(%arg0: i32) -> (i32, i32) {
    %c0_i32 = arith.constant 0 : i32
    %c0_i32_0 = arith.constant 0 : i32
    return %arg0, %c0_i32 : i32, i32
  }
  func.func @transform_3(%arg0: i32) -> (i32, i32) {
    %c0_i32 = arith.constant 0 : i32
    %c0_i32_0 = arith.constant 0 : i32
    return %arg0, %c0_i32 : i32, i32
  }
}

module attributes {stable_mosaic.version = 14 : i64} {
  func.func @_tcb_body(%arg0: i32, %arg1: memref<2x1000x128xf32, #tpu.memory_space<vmem>>, %arg2: memref<1000x1xf32, #tpu.memory_space<vmem>>, %arg3: memref<128x128xf32, #tpu.memory_space<vmem>>, %arg4: memref<128xf32, #tpu.memory_space<vmem>>, %arg5: memref<1000x128xf32, #tpu.memory_space<vmem>>) attributes {dimension_semantics = [#tpu.dimension_semantics<arbitrary>], iteration_bounds = array<i64: 10>, scalar_prefetch = 0 : i64, scratch_operands = 0 : i64, tpu.core_type = #tpu.core_type<tc>, window_params = [{transform_indices = @transform_0, window_bounds = array<i64: 2, 1000, 128>}, {transform_indices = @transform_1, window_bounds = array<i64: 1000, 1>}, {pipeline_mode = #tpu.pipeline_mode<synchronous>, transform_indices = @transform_2, window_bounds = array<i64: 128, 128>}, {pipeline_mode = #tpu.pipeline_mode<synchronous>, transform_indices = @transform_3, window_bounds = array<i64: 128>}, {transform_indices = @transform_4, window_bounds = array<i64: 1000, 128>}]} {
    %get3A = arith.constant 0 : index
    %get3A_0 = arith.constant 0 : index
    %get3A_1 = vector.load %arg2[%get3A, %get3A_0] : memref<1000x1xf32, #tpu.memory_space<vmem>>, vector<1000x1xf32>
    %get3A_2 = arith.constant 0 : index
    %get3A_3 = arith.constant 0 : index
    %get3A_4 = arith.constant 0 : index
    %get3A_5 = vector.load %arg1[%get3A_2, %get3A_3, %get3A_4] : memref<2x1000x128xf32, #tpu.memory_space<vmem>>, vector<1x1000x128xf32>
    %get3A_6 = vector.shape_cast %get3A_5 : vector<1x1000x128xf32> to vector<1000x128xf32>
    %get3A_7 = arith.constant 1 : index
    %get3A_8 = arith.constant 0 : index
    %get3A_9 = arith.constant 0 : index
    %get3A_10 = vector.load %arg1[%get3A_7, %get3A_8, %get3A_9] : memref<2x1000x128xf32, #tpu.memory_space<vmem>>, vector<1x1000x128xf32>
    %get3A_11 = vector.shape_cast %get3A_10 : vector<1x1000x128xf32> to vector<1000x128xf32>
    %add3A = arith.addf %get3A_6, %get3A_11 : vector<1000x128xf32>
    %mul3A = vector.broadcast %get3A_1 : vector<1000x1xf32> to vector<1000x128xf32>
    %mul3A_12 = arith.mulf %add3A, %mul3A : vector<1000x128xf32>
    %get3A_13 = arith.constant 0 : index
    %get3A_14 = arith.constant 0 : index
    %get3A_15 = vector.load %arg3[%get3A_13, %get3A_14] : memref<128x128xf32, #tpu.memory_space<vmem>>, vector<128x128xf32>
    %dot_general3A = arith.constant dense<0.000000e+00> : vector<1000x128xf32>
    %dot_general3A_16 = tpu.matmul %mul3A_12, %get3A_15, %dot_general3A {dimension_numbers = #tpu.dot_dimension_numbers<[1], [0], [0], [1], [0, 0, 1, 1], [], []>, precision = #tpu.contract_precision<fp32>, transpose_lhs_hint = false} : vector<1000x128xf32>, vector<128x128xf32>, vector<1000x128xf32> -> vector<1000x128xf32>
    %get3A_17 = arith.constant 0 : index
    %get3A_18 = vector.load %arg4[%get3A_17] : memref<128xf32, #tpu.memory_space<vmem>>, vector<128xf32>
    %broadcast_in_dim3A = vector.shape_cast %get3A_18 : vector<128xf32> to vector<1x128xf32>
    %add3A_19 = vector.broadcast %broadcast_in_dim3A : vector<1x128xf32> to vector<1000x128xf32>
    %add3A_20 = arith.addf %dot_general3A_16, %add3A_19 : vector<1000x128xf32>
    %max3A = arith.constant 0.000000e+00 : f32
    %max3A_21 = vector.broadcast %max3A : f32 to vector<1000x128xf32>
    %max3A_22 = arith.maximumf %add3A_20, %max3A_21 : vector<1000x128xf32>
    %mul3A_23 = vector.broadcast %get3A_1 : vector<1000x1xf32> to vector<1000x128xf32>
    %mul3A_24 = arith.mulf %max3A_22, %mul3A_23 : vector<1000x128xf32>
    %swap3A = arith.constant 0 : index
    %swap3A_25 = arith.constant 0 : index
    %swap3A_26 = vector.load %arg5[%swap3A, %swap3A_25] : memref<1000x128xf32, #tpu.memory_space<vmem>>, vector<1000x128xf32>
    tpu.vector_store %arg5[%swap3A, %swap3A_25], %mul3A_24 {strides = array<i32>} : memref<1000x128xf32, #tpu.memory_space<vmem>>, vector<1000x128xf32>,
    return
  }
  func.func @transform_0(%arg0: i32) -> (i32, i32, i32) {
    %c0_i32 = arith.constant 0 : i32
    %c0_i32_0 = arith.constant 0 : i32
    %c0_i32_1 = arith.constant 0 : i32
    return %c0_i32, %arg0, %c0_i32_0 : i32, i32, i32
  }
  func.func @transform_1(%arg0: i32) -> (i32, i32) {
    %c0_i32 = arith.constant 0 : i32
    %c0_i32_0 = arith.constant 0 : i32
    return %arg0, %c0_i32 : i32, i32
  }
  func.func @transform_2(%arg0: i32) -> (i32, i32) {
    %c0_i32 = arith.constant 0 : i32
    %c0_i32_0 = arith.constant 0 : i32
    %c0_i32_1 = arith.constant 0 : i32
    return %c0_i32, %c0_i32_0 : i32, i32
  }
  func.func @transform_3(%arg0: i32) -> i32 {
    %c0_i32 = arith.constant 0 : i32
    %c0_i32_0 = arith.constant 0 : i32
    return %c0_i32 : i32
  }
  func.func @transform_4(%arg0: i32) -> (i32, i32) {
    %c0_i32 = arith.constant 0 : i32
    %c0_i32_0 = arith.constant 0 : i32
    return %arg0, %c0_i32 : i32, i32
  }
}

module attributes {stable_mosaic.version = 14 : i64} {
  func.func @_tcc_body(%arg0: i32, %arg1: memref<2x1000x128xf32, #tpu.memory_space<vmem>>, %arg2: memref<1000x1xf32, #tpu.memory_space<vmem>>, %arg3: memref<128x128xf32, #tpu.memory_space<vmem>>, %arg4: memref<128xf32, #tpu.memory_space<vmem>>, %arg5: memref<128x128xf32, #tpu.memory_space<vmem>>, %arg6: memref<128xf32, #tpu.memory_space<vmem>>, %arg7: memref<128x40xf32, #tpu.memory_space<vmem>>, %arg8: memref<40xf32, #tpu.memory_space<vmem>>, %arg9: memref<1000x40xf32, #tpu.memory_space<vmem>>) attributes {dimension_semantics = [#tpu.dimension_semantics<arbitrary>], iteration_bounds = array<i64: 10>, scalar_prefetch = 0 : i64, scratch_operands = 0 : i64, tpu.core_type = #tpu.core_type<tc>, window_params = [{transform_indices = @transform_0, window_bounds = array<i64: 2, 1000, 128>}, {transform_indices = @transform_1, window_bounds = array<i64: 1000, 1>}, {pipeline_mode = #tpu.pipeline_mode<synchronous>, transform_indices = @transform_2, window_bounds = array<i64: 128, 128>}, {pipeline_mode = #tpu.pipeline_mode<synchronous>, transform_indices = @transform_3, window_bounds = array<i64: 128>}, {pipeline_mode = #tpu.pipeline_mode<synchronous>, transform_indices = @transform_4, window_bounds = array<i64: 128, 128>}, {pipeline_mode = #tpu.pipeline_mode<synchronous>, transform_indices = @transform_5, window_bounds = array<i64: 128>}, {pipeline_mode = #tpu.pipeline_mode<synchronous>, transform_indices = @transform_6, window_bounds = array<i64: 128, 40>}, {pipeline_mode = #tpu.pipeline_mode<synchronous>, transform_indices = @transform_7, window_bounds = array<i64: 40>}, {transform_indices = @transform_8, window_bounds = array<i64: 1000, 40>}]} {
    %get3A = arith.constant 0 : index
    %get3A_0 = arith.constant 0 : index
    %get3A_1 = arith.constant 0 : index
    %get3A_2 = vector.load %arg1[%get3A, %get3A_0, %get3A_1] : memref<2x1000x128xf32, #tpu.memory_space<vmem>>, vector<1x1000x128xf32>
    %get3A_3 = vector.shape_cast %get3A_2 : vector<1x1000x128xf32> to vector<1000x128xf32>
    %get3A_4 = arith.constant 1 : index
    %get3A_5 = arith.constant 0 : index
    %get3A_6 = arith.constant 0 : index
    %get3A_7 = vector.load %arg1[%get3A_4, %get3A_5, %get3A_6] : memref<2x1000x128xf32, #tpu.memory_space<vmem>>, vector<1x1000x128xf32>
    %get3A_8 = vector.shape_cast %get3A_7 : vector<1x1000x128xf32> to vector<1000x128xf32>
    %add3A = arith.addf %get3A_3, %get3A_8 : vector<1000x128xf32>
    %get3A_9 = arith.constant 0 : index
    %get3A_10 = arith.constant 0 : index
    %get3A_11 = vector.load %arg2[%get3A_9, %get3A_10] : memref<1000x1xf32, #tpu.memory_space<vmem>>, vector<1000x1xf32>
    %mul3A = vector.broadcast %get3A_11 : vector<1000x1xf32> to vector<1000x128xf32>
    %mul3A_12 = arith.mulf %add3A, %mul3A : vector<1000x128xf32>
    %get3A_13 = arith.constant 0 : index
    %get3A_14 = arith.constant 0 : index
    %get3A_15 = vector.load %arg3[%get3A_13, %get3A_14] : memref<128x128xf32, #tpu.memory_space<vmem>>, vector<128x128xf32>
    %dot_general3A = arith.constant dense<0.000000e+00> : vector<1000x128xf32>
    %dot_general3A_16 = tpu.matmul %mul3A_12, %get3A_15, %dot_general3A {dimension_numbers = #tpu.dot_dimension_numbers<[1], [0], [0], [1], [0, 0, 1, 1], [], []>, precision = #tpu.contract_precision<fp32>, transpose_lhs_hint = false} : vector<1000x128xf32>, vector<128x128xf32>, vector<1000x128xf32> -> vector<1000x128xf32>
    %get3A_17 = arith.constant 0 : index
    %get3A_18 = vector.load %arg4[%get3A_17] : memref<128xf32, #tpu.memory_space<vmem>>, vector<128xf32>
    %broadcast_in_dim3A = vector.shape_cast %get3A_18 : vector<128xf32> to vector<1x128xf32>
    %add3A_19 = vector.broadcast %broadcast_in_dim3A : vector<1x128xf32> to vector<1000x128xf32>
    %add3A_20 = arith.addf %dot_general3A_16, %add3A_19 : vector<1000x128xf32>
    %max3A = arith.constant 0.000000e+00 : f32
    %max3A_21 = vector.broadcast %max3A : f32 to vector<1000x128xf32>
    %max3A_22 = arith.maximumf %add3A_20, %max3A_21 : vector<1000x128xf32>
    %get3A_23 = arith.constant 0 : index
    %get3A_24 = arith.constant 0 : index
    %get3A_25 = vector.load %arg5[%get3A_23, %get3A_24] : memref<128x128xf32, #tpu.memory_space<vmem>>, vector<128x128xf32>
    %dot_general3A_26 = arith.constant dense<0.000000e+00> : vector<1000x128xf32>
    %dot_general3A_27 = tpu.matmul %max3A_22, %get3A_25, %dot_general3A_26 {dimension_numbers = #tpu.dot_dimension_numbers<[1], [0], [0], [1], [0, 0, 1, 1], [], []>, precision = #tpu.contract_precision<fp32>, transpose_lhs_hint = false} : vector<1000x128xf32>, vector<128x128xf32>, vector<1000x128xf32> -> vector<1000x128xf32>
    %get3A_28 = arith.constant 0 : index
    %get3A_29 = vector.load %arg6[%get3A_28] : memref<128xf32, #tpu.memory_space<vmem>>, vector<128xf32>
    %broadcast_in_dim3A_30 = vector.shape_cast %get3A_29 : vector<128xf32> to vector<1x128xf32>
    %add3A_31 = vector.broadcast %broadcast_in_dim3A_30 : vector<1x128xf32> to vector<1000x128xf32>
    %add3A_32 = arith.addf %dot_general3A_27, %add3A_31 : vector<1000x128xf32>
    %max3A_33 = arith.constant 0.000000e+00 : f32
    %max3A_34 = vector.broadcast %max3A_33 : f32 to vector<1000x128xf32>
    %max3A_35 = arith.maximumf %add3A_32, %max3A_34 : vector<1000x128xf32>
    %get3A_36 = arith.constant 0 : index
    %get3A_37 = arith.constant 0 : index
    %get3A_38 = vector.load %arg7[%get3A_36, %get3A_37] : memref<128x40xf32, #tpu.memory_space<vmem>>, vector<128x40xf32>
    %dot_general3A_39 = arith.constant dense<0.000000e+00> : vector<1000x40xf32>
    %dot_general3A_40 = tpu.matmul %max3A_35, %get3A_38, %dot_general3A_39 {dimension_numbers = #tpu.dot_dimension_numbers<[1], [0], [0], [1], [0, 0, 1, 1], [], []>, precision = #tpu.contract_precision<fp32>, transpose_lhs_hint = false} : vector<1000x128xf32>, vector<128x40xf32>, vector<1000x40xf32> -> vector<1000x40xf32>
    %get3A_41 = arith.constant 0 : index
    %get3A_42 = vector.load %arg8[%get3A_41] : memref<40xf32, #tpu.memory_space<vmem>>, vector<40xf32>
    %broadcast_in_dim3A_43 = vector.shape_cast %get3A_42 : vector<40xf32> to vector<1x40xf32>
    %add3A_44 = vector.broadcast %broadcast_in_dim3A_43 : vector<1x40xf32> to vector<1000x40xf32>
    %add3A_45 = arith.addf %dot_general3A_40, %add3A_44 : vector<1000x40xf32>
    %swap3A = arith.constant 0 : index
    %swap3A_46 = arith.constant 0 : index
    %swap3A_47 = vector.load %arg9[%swap3A, %swap3A_46] : memref<1000x40xf32, #tpu.memory_space<vmem>>, vector<1000x40xf32>
    tpu.vector_store %arg9[%swap3A, %swap3A_46], %add3A_45 {strides = array<i32>} : memref<1000x40xf32, #tpu.memory_space<vmem>>, vector<1000x40xf32>,
    return
  }
  func.func @transform_0(%arg0: i32) -> (i32, i32, i32) {
    %c0_i32 = arith.constant 0 : i32
    %c0_i32_0 = arith.constant 0 : i32
    %c0_i32_1 = arith.constant 0 : i32
    return %c0_i32, %arg0, %c0_i32_0 : i32, i32, i32
  }
  func.func @transform_1(%arg0: i32) -> (i32, i32) {
    %c0_i32 = arith.constant 0 : i32
    %c0_i32_0 = arith.constant 0 : i32
    return %arg0, %c0_i32 : i32, i32
  }
  func.func @transform_2(%arg0: i32) -> (i32, i32) {
    %c0_i32 = arith.constant 0 : i32
    %c0_i32_0 = arith.constant 0 : i32
    %c0_i32_1 = arith.constant 0 : i32
    return %c0_i32, %c0_i32_0 : i32, i32
  }
  func.func @transform_3(%arg0: i32) -> i32 {
    %c0_i32 = arith.constant 0 : i32
    %c0_i32_0 = arith.constant 0 : i32
    return %c0_i32 : i32
  }
  func.func @transform_4(%arg0: i32) -> (i32, i32) {
    %c0_i32 = arith.constant 0 : i32
    %c0_i32_0 = arith.constant 0 : i32
    %c0_i32_1 = arith.constant 0 : i32
    return %c0_i32, %c0_i32_0 : i32, i32
  }
  func.func @transform_5(%arg0: i32) -> i32 {
    %c0_i32 = arith.constant 0 : i32
    %c0_i32_0 = arith.constant 0 : i32
    return %c0_i32 : i32
  }
  func.func @transform_6(%arg0: i32) -> (i32, i32) {
    %c0_i32 = arith.constant 0 : i32
    %c0_i32_0 = arith.constant 0 : i32
    %c0_i32_1 = arith.constant 0 : i32
    return %c0_i32, %c0_i32_0 : i32, i32
  }
  func.func @transform_7(%arg0: i32) -> i32 {
    %c0_i32 = arith.constant 0 : i32
    %c0_i32_0 = arith.constant 0 : i32
    return %c0_i32 : i32
  }
  func.func @transform_8(%arg0: i32) -> (i32, i32) {
    %c0_i32 = arith.constant 0 : i32
    %c0_i32_0 = arith.constant 0 : i32
    return %arg0, %c0_i32 : i32, i32
  }
}

</mosaic_0001>

<sc_bundles>
// kernel: kernel.11.cloned.1.call-start
scs
__scs_entry_jumppad:
0x0: {  	(pc) =	sbr.rel $0x88, $3  }
0x1: {  	(tag) =	ssettag $0x0;
	lr =	simm.s32 $0x1  }
0x2: {  	[smem:$0x3F97] =	sst lr;
	_ =	strace $0xD0000000  }
0x3: {  	_ = 	snop  }
0x4: {  	_ = 	snop  }
0x5: {  	_ = 	snop  }
0x6: {  	_ = 	snop  }
0x7: {  	_ = 	snop  }
__scs_overlays_trampoline_lowered:
0x8: {  	[smem:$0x3FA6] =	sst s0  }
0x9: {  	[smem:$0x3FA7] =	sst s1  }
0xa: {  	[smem:$0x3FA8] =	sst s2  }
0xb: {  	[smem:$0x3FA9] =	sst s3  }
0xc: {  	[smem:$0x3FAA] =	sst s4  }
0xd: {  	[smem:$0x3FAB] =	sst s5  }
0xe: {  	[smem:$0x3FAC] =	sst s6  }
0xf: {  	[smem:$0x3FAD] =	sst s7  }
0x10: {  	[smem:$0x3FAE] =	sst s8  }
0x11: {  	[smem:$0x3FAF] =	sst s9;
	s0 =	simm.s32 @!p0 $0x0  }
0x12: {  	s1 =	sld [smem:$0x3F95];
	s0 =	simm.s32 @p0 $0x1  }
0x13: {  	[smem:$0x3FB0] =	sst s0;
	s0 =	simm.s32 @!p1 $0x0  }
0x14: {  	s2 =	sld [smem:$0x3F94];
	s0 =	simm.s32 @p1 $0x1  }
0x15: {  	[smem:$0x3FB1] =	sst s0;
	s0 =	simm.s32 @!p2 $0x0  }
0x16: {  	s3 =	sld [smem:$0x3FDB];
	s0 =	simm.s32 @p2 $0x1  }
0x17: {  	s4 =	simm.s32 $0x1BF5;
	[smem:$0x3FB3] =	sst s0  }
0x18: {  	s0 =	sld [smem:$0x3F96];
	_ =	swait.ge [sflag:s4], $0x0  }
0x19: {  	s7 =	sld [smem:$0x3F97]  }
0x1a: {  	s8 =	sadd.s32 $0xFFFFE003, lr  }
0x1b: {  	s9 =	sadd.s32 $0xFFFFFEF7, lr;
	s5 =	simm.s32 $0xFFFFFFFF;
	p2 =	slt.u32 s8, $0xFFFFF086  }
0x1c: {  	p1 =	slt.u32 s9, $0xF7A;
	s5 =	simm.s32 @!p2 $0x0  }
0x1d: {  	s5 =	simm.s32 @p1 $0x1;
	p0 =	seq.s32 s7, s2  }
0x1e: {  	s7 =	smul.u32 @!p0 $0xF7A, s2;
	p2 =	seq.s32 @!p0 s5, $0x0  }
0x1f: {  	s9 =	smul.u32 $0xF7A, s1;
	s8 =	simm.s32 @!p0 $0x1BF5;
	p2 =	por !p2, p0  }
0x20: {  	[sflag:s8] =	ssyncset.s32 @!p0 $0xFFFFF086;
	s6 =	sadd.s32 @!p0 s3, s7;
	s7 =	simm.s32 @!p0 $0x108  }
0x21: {  	s3 =	sadd.s32 s3, s9;
	s6 =	sadd.s32 @!p0 $0x88, s6;
	s7 =	simm.s32 @p2 $0x1082  }
0x22: {  	[simem:s7], [sflag:s8] =	dma.local @!p0 [hbm:s6], $0xF7A  }
0x23: {  	s9 =	sor.u32 $0xD0000000, s2;
	s6 =	simm.s32 $0x108;
	_ =	swait.ge @!p0 [sflag:s8], $0x0  }
0x24: {  	s3 =	sadd.s32 $0x88, s3;
	s6 =	simm.s32 @!p1 $0x1082;
	[sflag:s4] =	ssyncset.s32 $0xFFFFF086  }
0x25: {  	[simem:s6], [sflag:s4] =	dma.local [hbm:s3], $0xF7A  }
0x26: {  	[smem:$0x3F97] =	sst s1;
	(tag) =	ssettag s2;
	_ =	strace s9  }
0x27: {  	s1 =	sld [smem:$0x3FA7]  }
0x28: {  	s2 =	sld [smem:$0x3FA8]  }
0x29: {  	s4 =	sld [smem:$0x3FAA]  }
0x2a: {  	p0 =	seq.s32 s5, $0x0;
	s5 =	sld [smem:$0x3FAB]  }
0x2b: {  	s6 =	sld [smem:$0x3FAC]  }
0x2c: {  	s7 =	sld [smem:$0x3FAD]  }
0x2d: {  	s3 =	simm.s32 $0x108;
	s8 =	sld [smem:$0x3FAE]  }
0x2e: {  	s3 =	simm.s32 @!p0 $0x1082;
	s9 =	sld [smem:$0x3FAF]  }
0x2f: {  	lr =	sadd.s32 s0, s3;
	s0 =	sld [smem:$0x3FA6]  }
0x30: {  	s3 =	sld [smem:$0x3FA9]  }
0x31: {  	[smem:$0x3FB2] =	sst s10  }
0x32: {  	s10 =	sld [smem:$0x3FB0];
	_ =	sdelay $0x3  }
0x33: {  	p0 =	seq.s32 s10, $0x1;
	s10 =	sld [smem:$0x3FB2];
	_ =	sdelay $0x3  }
0x34: {  	[smem:$0x3FB2] =	sst s10  }
0x35: {  	s10 =	sld [smem:$0x3FB1];
	_ =	sdelay $0x3  }
0x36: {  	p1 =	seq.s32 s10, $0x1;
	s10 =	sld [smem:$0x3FB2];
	_ =	sdelay $0x3  }
0x37: {  	[smem:$0x3FB2] =	sst s10  }
0x38: {  	s10 =	sld [smem:$0x3FB3]  }
0x39: {  	_ = 	snop;
	(pc) =	sbr.ind lr, $3  }
0x3a: {  	_ = 	snop  }
0x3b: {  	_ = 	snop  }
0x3c: {  	p2 =	seq.s32 s10, $0x1;
	s10 =	sld [smem:$0x3FB2]  }
0x3d: {  	_ =	shalt  }
0x3e: {  	_ =	shalt  }
0x3f: {  	_ =	shalt  }
0x40: {  	_ =	shalt  }
0x41: {  	_ =	shalt  }
0x42: {  	_ =	shalt  }
0x43: {  	_ =	shalt  }
0x44: {  	_ =	shalt  }
0x45: {  	_ =	shalt  }
0x46: {  	_ =	shalt  }
0x47: {  	_ =	shalt  }
0x48: {  	_ =	shalt  }
0x49: {  	_ =	shalt  }
0x4a: {  	_ =	shalt  }
0x4b: {  	_ =	shalt  }
0x4c: {  	_ =	shalt  }
0x4d: {  	_ =	shalt  }
0x4e: {  	_ =	shalt  }
0x4f: {  	_ =	shalt  }
0x50: {  	_ =	shalt  }
0x51: {  	_ =	shalt  }
0x52: {  	_ =	shalt  }
0x53: {  	_ =	shalt  }
0x54: {  	_ =	shalt  }
0x55: {  	_ =	shalt  }
0x56: {  	_ =	shalt  }
0x57: {  	_ =	shalt  }
0x58: {  	_ =	shalt  }
0x59: {  	_ =	shalt  }
0x5a: {  	_ =	shalt  }
0x5b: {  	_ =	shalt  }
0x5c: {  	_ =	shalt  }
0x5d: {  	_ =	shalt  }
0x5e: {  	_ =	shalt  }
0x5f: {  	_ =	shalt  }
0x60: {  	_ =	shalt  }
0x61: {  	_ =	shalt  }
0x62: {  	_ =	shalt  }
0x63: {  	_ =	shalt  }
0x64: {  	_ =	shalt  }
0x65: {  	_ =	shalt  }
0x66: {  	_ =	shalt  }
0x67: {  	_ =	shalt  }
0x68: {  	_ =	shalt  }
0x69: {  	_ =	shalt  }
0x6a: {  	_ =	shalt  }
0x6b: {  	_ =	shalt  }
0x6c: {  	_ =	shalt  }
0x6d: {  	_ =	shalt  }
0x6e: {  	_ =	shalt  }
0x6f: {  	_ =	shalt  }
0x70: {  	_ =	shalt  }
0x71: {  	_ =	shalt  }
0x72: {  	_ =	shalt  }
0x73: {  	_ =	shalt  }
0x74: {  	_ =	shalt  }
0x75: {  	_ =	shalt  }
0x76: {  	_ =	shalt  }
0x77: {  	_ =	shalt  }
0x78: {  	_ =	shalt  }
0x79: {  	_ =	shalt  }
0x7a: {  	_ =	shalt  }
0x7b: {  	_ =	shalt  }
0x7c: {  	_ =	shalt  }
0x7d: {  	_ =	shalt  }
0x7e: {  	_ =	shalt  }
0x7f: {  	_ =	shalt  }
0x80: {  	_ =	shalt  }
0x81: {  	_ =	shalt  }
0x82: {  	_ =	shalt  }
0x83: {  	_ =	shalt  }
0x84: {  	_ =	shalt  }
0x85: {  	_ =	shalt  }
0x86: {  	_ =	shalt  }
0x87: {  	_ =	shalt  }
.Lfunc_end0:
.L_simem_size_0:
called_computation.1_lowered:
.L_overlay_start_0:
0x88: {  	s2 =	sld [smem:$0x3FD9]  }
0x89: {  	s3 =	sld [smem:$0x3FFE];
	_ =	sdelay $0x1  }
0x8a: {  	s1 =	srdreg.scid  }
0x8b: {  	s0 =	sand.u32 $0x1, s1  }
0x8c: {  	s17 =	sshll.u32 s0, $0xA;
	s2 =	sadd.s32 s3, s2  }
0x8d: {  	s2 =	sadd.s32 s2, s17  }
0x8e: {  	[smem:$0x3FBE] =	sst s2  }
0x8f: {  	_ = 	snop  }
0x90: {  	s2 =	sld [smem:$0x3FD0];
	(tm) =	ssettm $0x1  }
0x91: {  	s18 =	sld [smem:$0x3FFB];
	_ =	sdelay $0x3  }
0x92: {  	_ =	strace s18  }
0x93: {  	s3 =	sld [smem:$0x3FFC];
	_ =	sdelay $0x3  }
0x94: {  	_ =	strace s3  }
0x95: {  	s3 =	sld [smem:$0x3FFD];
	_ =	sdelay $0x3  }
0x96: {  	_ =	strace s3  }
0x97: {  	_ =	strace $0x8FFFFFFF  }
0x98: {  	s19 =	sld [smem:$0x3FDB];
	_ =	sdelay $0x1  }
0x99: {  	s4 =	simm.s32 $_scs_section_size  }
0x9a: {  	s5 =	simm.s32 $_size__tile_overlayer_lowered;
	s6 =	simm.s32 $_tile_overlayer_lowered  }
0x9b: {  	s22 =	simm.s32 $0x1BFF;
	s21 =	sshll.u32 s6, $0x1;
	s3 =	sadd.s32 s4, s19  }
0x9c: {  	s7 =	simm.s32 $0x0;
	s20 =	sshll.u32 s5, $0x1;
	s5 =	sadd.s32 s21, s3  }
0x9d: {  	[timem:s7], [sflag:s22] =	dma.local [hbm:s5], s20  }
0x9e: {  	_ =	swait.ge [sflag:s22], s20  }
0x9f: {  	s4 =	ssub.s32 $0x0, s20;
	[sflag:s22] =	ssyncset.done $0x0  }
0xa0: {  	[sflag:s22] =	ssyncadd.s32 s4;
	_ =	sdelay $0x1  }
0xa1: {  	s23 =	simm.s32 $0x1B8B  }
0xa2: {  	_ =	swait.ge [sflag:s23], $0x1  }
0xa3: {  	[sflag:s23] =	ssyncset.done $0x0  }
0xa4: {  	s25 =	simm.s32 $0x1B8E;
	s24 =	sld [smem:$0x3FFE];
	[sflag:s23] =	ssyncadd.s32 $0xFFFFFFFF  }
0xa5: {  	s26 =	simm.s32 $execute0_lowered;
	[smem:$0x3FD2] =	sst s25  }
0xa6: {  	s5 =	sshll.u32 s26, $0x1;
	_ =	strace $0x80000049;
	[dreg:$0x1] =	wrdreg $0xFFFFFFFF  }
0xa7: {  	s28 =	simm.s32 $_size_execute0_lowered;
	s3 =	sadd.s32 s3, s5;
	[dreg:$0x0] =	wrdreg $0x0  }
0xa8: {  	s5 =	sshll.u32 s28, $0x1;
	[dreg:$0x2] =	wrdreg s3  }
0xa9: {  	[dreg:$0x3] =	wrdreg s5  }
0xaa: {  	[dreg:$0x4] =	wrdreg $0xC0  }
0xab: {  	_ =	task [dreg:s7], $0x5FFFF  }
0xac: {  	[dreg:$0x1] =	wrdreg $0xFFFFFFFF  }
0xad: {  	[dreg:$0x0] =	wrdreg $0x60  }
0xae: {  	[dreg:$0x2] =	wrdreg s2  }
0xaf: {  	[dreg:$0x3] =	wrdreg s24  }
0xb0: {  	[dreg:$0x4] =	wrdreg $0x82000  }
0xb1: {  	[dreg:$0x5] =	wrdreg $0x9  }
0xb2: {  	_ =	task.clear_ibuf [dreg:s7], $0x6FFFF;
	_ =	strace $0x90000049  }
0xb3: {  	s29 =	simm.s32 $0x9;
	_ =	strace $0x8000004B  }
0xb4: {  	_ =	swait.ge [sflag:s29], $0x1  }
0xb5: {  	[sflag:s29] =	ssyncadd.s32 $0xFFFFFFFF  }
0xb6: {  	_ =	strace $0x9000004B  }
0xb7: {  	_ =	sfence  }
0xb8: {  	s30 =	sld [smem:$0x0];
	_ =	sdelay $0x2  }
0xb9: {  	s31 =	sshll.u32 s1, $0xD;
	s1 =	sshrl.u32 s1, $0x2  }
0xba: {  	s3 =	sand.u32 $0x4000, s31;
	s1 =	sadd.s32 s1, s30  }
0xbb: {  	s0 =	sor.u32 s3, s0;
	s1 =	sshll.u32 s1, $0x11  }
0xbc: {  	s0 =	sor.u32 s1, s0  }
0xbd: {  	s0 =	sadd.s32 $0x8F2B, s0  }
0xbe: {  	[sflag:s0] =	ssyncadd.remote.s32 $0x1  }
0xbf: {  	_ =	sfence.sel $0xFFFF  }
0xc0: {  	[dreg:$0x0] =	wrdreg $0xFFFFFFFF;
	(pc) =	sbr.abs _section_cstart, $3  }
0xc1: {  	[dreg:$0x1] =	wrdreg $0xFFFFFFFF  }
0xc2: {  	_ =	task.clear_ibuf [dreg:s7], $0x2FFFF;
	_ =	strace $0x9FFFFFFF  }
0xc3: {  	(tm) =	ssettm $0x7FFFFFFF  }
tec
execute0_lowered:
.L_overlay_start_1:
0x0: {  	(tag) =	ssettag $0x1  }
0x1: {  	s0 =	rddreg [dreg:$0x0]  }
0x2: {  	s1 =	rddreg [dreg:$0x1]  }
0x3: {  	s2 =	rddreg [dreg:$0x2];
	s12 =	stileid.u32  }
0x4: {  	s3 =	simm.s32 $0x0;
	s4 =	srdreg.scid;
	s28 =	simm.s32 $0x8180  }
0x5: {  	s29 =	simm.s32 $0x1;
	s30 =	simm.s32 $0x3;
	s31 =	simm.s32 $0x2  }
0x6: {  	s5 =	smul.u32 $0x13C00, s12;
	[smem:$0x7FF] =	sst s3;
	s6 =	sand.u32 $0x1, s4  }
0x7: {  	s20 =	sadd.s32 $0x2800, s1;
	s4 =	sadd.s32 $0x34000, s1;
	s17 =	smul.u32 $0x4F000, s12  }
0x8: {  	s19 =	sshll.u32 s12, $0x6;
	s16 =	smul.u32 $0x2800, s12;
	_ =	strace $0x8000004A  }
0x9: {  	s8 =	smul.u32 $0x13C000, s6;
	s9 =	sshll.u32 s6, $0x4;
	s10 =	ssub.s32 $0x2, s6  }
0xa: {  	s6 =	smul.u32 $0x28000, s6;
	s7 =	sshrl.u32 s5, $0x3;
	s9 =	sor.u32 s12, s9  }
0xb: {  	s11 =	sshrl.u32 s10, $0x1;
	s7 =	sadd.s32 s7, s1;
	s5 =	sadd.s32 s5, s8  }
0xc: {  	s8 =	sshrl.u32 s17, $0x2;
	s9 =	smul.u32 $0x2800, s9;
	s18 =	ssub.s32 s10, s11  }
0xd: {  	s25 =	sadd.s32 s16, s6;
	s5 =	sshrl.u32 s5, $0x3;
	s8 =	sadd.s32 s8, s2  }
0xe: {  	s7 =	sadd.s32 $0xC800, s7;
	s13 =	smax.u32 s18, $0x1;
	[dreg:$0x4] =	wrdreg s8  }
0xf: {  	s6 =	sor.u32 $0x100, s25;
	s1 =	sadd.s32 s5, s1;
	[dreg:$0x5] =	wrdreg s7  }
0x10: {  	s21 =	sshrl.u32 s9, $0x3;
	s7 =	sor.u32 $0x1C05, s19;
	s5 =	sor.u32 $0x180, s25  }
0x11: {  	s26 =	sshrl.u32 s6, $0x3;
	s25 =	simm.s32 $0x8100;
	s9 =	sadd.s32 s0, s21  }
0x12: {  	s22 =	sor.u32 $0x10, s21;
	s23 =	sadd.s32 s20, s21;
	s15 =	sadd.s32 $0x4F0, s21  }
0x13: {  	s12 =	sadd.s32 $0x5B200, s1;
	s24 =	sadd.s32 $0x4E0, s21;
	s5 =	sshrl.u32 s5, $0x3  }
0x14: {  	s18 =	sadd.s32 s26, s20;
	s19 =	sadd.s32 s26, s0;
	[dreg:$0x6] =	wrdreg s9  }
0x15: {  	s26 =	simm.s32 $0x4100;
	s1 =	simm.s32 $0x0;
	[dreg:$0x7] =	wrdreg s23  }
0x16: {  	s10 =	sadd.s32 s0, s22;
	s11 =	sadd.s32 s20, s22;
	s14 =	sadd.s32 s0, s15  }
0x17: {  	s15 =	sadd.s32 s20, s15;
	s16 =	sadd.s32 s0, s24;
	s17 =	sadd.s32 s20, s24  }
0x18: {  	s20 =	sadd.s32 s5, s20;
	s21 =	sadd.s32 s5, s0;
	s22 =	simm.s32 $0x5  }
0x19: {  	s23 =	simm.s32 $0x80;
	s24 =	simm.s32 $0x100;
	s0 =	simm.s32 $0x4  }
.LBB2_1:
0x1a: {  	s5 =	rddreg [dreg:$0x4]  }
0x1b: {  	s6 =	rddreg [dreg:$0x5];
	s5 =	sshrl.u32 s5, $0x3  }
0x1c: {  	[spmem:s5], [sflag:s7] =	dma.local [hbm:s6], $0x2780  }
0x1d: {  	_ =	swait.ge [sflag:s22], $0x2780  }
0x1e: {  	[sflag:s22] =	ssyncset.done $0x0  }
0x1f: {  	[sflag:s22] =	ssyncadd.s32 $0xFFFFD880  }
0x20: {  	[bflag:$0x0] =	sbarrier.arrive $0xFFFF  }
0x21: {  	s9 =	rddreg [dreg:$0x6]  }
0x22: {  	[tilespmem:s3], [sflag:$0x5] =	stream.linear.gather [hbm4b:s9+s3], $0x80, $0x38;
	[tilespmem:$0x1BE00] =	vst v63  }
0x23: {  	_ =	swait.ge [sflag:s22], $0x80  }
0x24: {  	[sflag:s22] =	ssyncset.done $0x0  }
0x25: {  	[sflag:s22] =	ssyncadd.s32 $0xFFFFFF80  }
0x26: {  	[tilespmem:s24], [sflag:$0x1] =	stream.indirect.gather [hbm4b:s4+s23], $0x80, s3, s23, $0xb8;
	[tilespmem:$0x1BE00] =	vst v63  }
0x27: {  	s8 =	rddreg [dreg:$0x7]  }
0x28: {  	[tilespmem:s25], [sflag:$0x3] =	stream.linear.gather [hbm4b:s8+s3], $0x80, $0x38;
	[tilespmem:$0x1BE00] =	vst v63  }
0x29: {  	_ = 	snop  }
0x2a: {  	[tilespmem:s23], [sflag:$0x5] =	stream.linear.gather [hbm4b:s10+s3], $0x80, $0x38;
	[tilespmem:$0x1BE00] =	vst v63  }
0x2b: {  	_ =	swait.ge [sflag:s22], $0x80  }
0x2c: {  	[sflag:s22] =	ssyncset.done $0x0  }
0x2d: {  	[sflag:s22] =	ssyncadd.s32 $0xFFFFFF80  }
0x2e: {  	[tilespmem:s26], [sflag:$0x2] =	stream.indirect.gather [hbm4b:s4+s23], $0x80, s23, s23, $0xb8;
	[tilespmem:$0x1BE00] =	vst v63  }
0x2f: {  	_ = 	snop  }
0x30: {  	[tilespmem:s28], [sflag:$0x4] =	stream.linear.gather [hbm4b:s11+s3], $0x80, $0x38;
	[tilespmem:$0x1BE00] =	vst v63  }
0x31: {  	_ =	swait.ge [sflag:s29], $0x4000  }
0x32: {  	[sflag:s29] =	ssyncset.done $0x0  }
0x33: {  	[sflag:s29] =	ssyncadd.s32 $0xFFFFC000  }
0x34: {  	_ =	swait.ge [sflag:s30], $0x80  }
0x35: {  	[sflag:s30] =	ssyncset.done $0x0  }
0x36: {  	[sflag:s30] =	ssyncadd.s32 $0xFFFFFF80  }
0x37: {  	[spmem:s2] =	stream.indirect.scatter.add.f32 [tilespmem:s24], [sflag:$0x5], $0x80, s25, s23, $0xb8;
	[tilespmem:$0x1BE00] =	vst v63  }
0x38: {  	_ =	swait.ge [sflag:s22], $0x4000  }
0x39: {  	[sflag:s22] =	ssyncset.done $0x0  }
0x3a: {  	s9 =	sadd.s32 $0x0, s19;
	[sflag:s22] =	ssyncadd.s32 $0xFFFFC000  }
0x3b: {  	[tilespmem:s3], [sflag:$0x5] =	stream.linear.gather [hbm4b:s9+s3], $0x80, $0x38;
	[tilespmem:$0x1BE00] =	vst v63  }
0x3c: {  	_ =	swait.ge [sflag:s22], $0x80  }
0x3d: {  	[sflag:s22] =	ssyncset.done $0x0  }
0x3e: {  	[sflag:s22] =	ssyncadd.s32 $0xFFFFFF80  }
0x3f: {  	[tilespmem:s24], [sflag:$0x1] =	stream.indirect.gather [hbm4b:s4+s23], $0x80, s3, s23, $0xb8;
	[tilespmem:$0x1BE00] =	vst v63  }
0x40: {  	s8 =	sadd.s32 $0x0, s18  }
0x41: {  	[tilespmem:s25], [sflag:$0x3] =	stream.linear.gather [hbm4b:s8+s3], $0x80, $0x38;
	[tilespmem:$0x1BE00] =	vst v63  }
0x42: {  	_ =	swait.ge [sflag:s31], $0x4000  }
0x43: {  	[sflag:s31] =	ssyncset.done $0x0  }
0x44: {  	[sflag:s31] =	ssyncadd.s32 $0xFFFFC000  }
0x45: {  	_ =	swait.ge [sflag:s0], $0x80  }
0x46: {  	[sflag:s0] =	ssyncset.done $0x0  }
0x47: {  	[sflag:s0] =	ssyncadd.s32 $0xFFFFFF80  }
0x48: {  	[spmem:s2] =	stream.indirect.scatter.add.f32 [tilespmem:s26], [sflag:$0x5], $0x80, s28, s23, $0xb8;
	[tilespmem:$0x1BE00] =	vst v63  }
0x49: {  	_ =	swait.ge [sflag:s22], $0x4000  }
0x4a: {  	[sflag:s22] =	ssyncset.done $0x0  }
0x4b: {  	s9 =	sadd.s32 $0x0, s21;
	[sflag:s22] =	ssyncadd.s32 $0xFFFFC000  }
0x4c: {  	[tilespmem:s23], [sflag:$0x5] =	stream.linear.gather [hbm4b:s9+s3], $0x80, $0x38;
	[tilespmem:$0x1BE00] =	vst v63  }
0x4d: {  	_ =	swait.ge [sflag:s22], $0x80  }
0x4e: {  	[sflag:s22] =	ssyncset.done $0x0  }
0x4f: {  	s6 =	simm.s32 $0x20;
	s8 =	sadd.s32 $0x0, s20;
	[sflag:s22] =	ssyncadd.s32 $0xFFFFFF80  }
0x50: {  	[tilespmem:s26], [sflag:$0x2] =	stream.indirect.gather [hbm4b:s4+s23], $0x80, s23, s23, $0xb8;
	[tilespmem:$0x1BE00] =	vst v63  }
.LBB2_2:
0x51: {  	[tilespmem:s28], [sflag:$0x4] =	stream.linear.gather [hbm4b:s8+s3], $0x80, $0x38;
	[tilespmem:$0x1BE00] =	vst v63  }
0x52: {  	s8 =	smov.u32 s6  }
0x53: {  	p0 =	sne.s32 s6, $0x4A0;
	s6 =	sadd.s32 $0x20, s6;
	_ =	swait.ge [sflag:s29], $0x4000  }
0x54: {  	[sflag:s29] =	ssyncset.done $0x0  }
0x55: {  	[sflag:s29] =	ssyncadd.s32 $0xFFFFC000  }
0x56: {  	_ =	swait.ge [sflag:s30], $0x80  }
0x57: {  	[sflag:s30] =	ssyncset.done $0x0  }
0x58: {  	[sflag:s30] =	ssyncadd.s32 $0xFFFFFF80  }
0x59: {  	[spmem:s2] =	stream.indirect.scatter.add.f32 [tilespmem:s24], [sflag:$0x5], $0x80, s25, s23, $0xb8;
	[tilespmem:$0x1BE00] =	vst v63  }
0x5a: {  	_ =	swait.ge [sflag:s22], $0x4000  }
0x5b: {  	[sflag:s22] =	ssyncset.done $0x0  }
0x5c: {  	s9 =	sadd.s32 s8, s19;
	[sflag:s22] =	ssyncadd.s32 $0xFFFFC000  }
0x5d: {  	[tilespmem:s3], [sflag:$0x5] =	stream.linear.gather [hbm4b:s9+s3], $0x80, $0x38;
	[tilespmem:$0x1BE00] =	vst v63  }
0x5e: {  	_ =	swait.ge [sflag:s22], $0x80  }
0x5f: {  	[sflag:s22] =	ssyncset.done $0x0  }
0x60: {  	[sflag:s22] =	ssyncadd.s32 $0xFFFFFF80  }
0x61: {  	[tilespmem:s24], [sflag:$0x1] =	stream.indirect.gather [hbm4b:s4+s23], $0x80, s3, s23, $0xb8;
	[tilespmem:$0x1BE00] =	vst v63  }
0x62: {  	s9 =	sadd.s32 s8, s18  }
0x63: {  	[tilespmem:s25], [sflag:$0x3] =	stream.linear.gather [hbm4b:s9+s3], $0x80, $0x38;
	[tilespmem:$0x1BE00] =	vst v63  }
0x64: {  	_ =	swait.ge [sflag:s31], $0x4000  }
0x65: {  	[sflag:s31] =	ssyncset.done $0x0  }
0x66: {  	[sflag:s31] =	ssyncadd.s32 $0xFFFFC000  }
0x67: {  	_ =	swait.ge [sflag:s0], $0x80  }
0x68: {  	[sflag:s0] =	ssyncset.done $0x0  }
0x69: {  	[sflag:s0] =	ssyncadd.s32 $0xFFFFFF80  }
0x6a: {  	[spmem:s2] =	stream.indirect.scatter.add.f32 [tilespmem:s26], [sflag:$0x5], $0x80, s28, s23, $0xb8;
	[tilespmem:$0x1BE00] =	vst v63  }
0x6b: {  	_ =	swait.ge [sflag:s22], $0x4000  }
0x6c: {  	[sflag:s22] =	ssyncset.done $0x0  }
0x6d: {  	s9 =	sadd.s32 s8, s21;
	[sflag:s22] =	ssyncadd.s32 $0xFFFFC000  }
0x6e: {  	[tilespmem:s23], [sflag:$0x5] =	stream.linear.gather [hbm4b:s9+s3], $0x80, $0x38;
	[tilespmem:$0x1BE00] =	vst v63  }
.Ltmp0:
0x6f: {  	_ =	swait.ge [sflag:s22], $0x80;
	(pc) =	sbr.rel @p0 .LBB2_2-.Ltmp0, $4  }
0x70: {  	[sflag:s22] =	ssyncset.done $0x0  }
0x71: {  	[sflag:s22] =	ssyncadd.s32 $0xFFFFFF80  }
0x72: {  	[tilespmem:s26], [sflag:$0x2] =	stream.indirect.gather [hbm4b:s4+s23], $0x80, s23, s23, $0xb8;
	[tilespmem:$0x1BE00] =	vst v63  }
0x73: {  	s8 =	sadd.s32 s8, s20  }
0x74: {  	[tilespmem:s28], [sflag:$0x4] =	stream.linear.gather [hbm4b:s8+s3], $0x80, $0x38;
	[tilespmem:$0x1BE00] =	vst v63  }
0x75: {  	_ =	swait.ge [sflag:s29], $0x4000  }
0x76: {  	[sflag:s29] =	ssyncset.done $0x0  }
0x77: {  	[sflag:s29] =	ssyncadd.s32 $0xFFFFC000  }
0x78: {  	_ =	swait.ge [sflag:s30], $0x80  }
0x79: {  	[sflag:s30] =	ssyncset.done $0x0  }
0x7a: {  	[sflag:s30] =	ssyncadd.s32 $0xFFFFFF80  }
0x7b: {  	[spmem:s2] =	stream.indirect.scatter.add.f32 [tilespmem:s24], [sflag:$0x5], $0x80, s25, s23, $0xb8;
	[tilespmem:$0x1BE00] =	vst v63  }
0x7c: {  	_ =	swait.ge [sflag:s22], $0x4000  }
0x7d: {  	[sflag:s22] =	ssyncset.done $0x0  }
0x7e: {  	[sflag:s22] =	ssyncadd.s32 $0xFFFFC000  }
0x7f: {  	[tilespmem:s3], [sflag:$0x5] =	stream.linear.gather [hbm4b:s16+s3], $0x80, $0x38;
	[tilespmem:$0x1BE00] =	vst v63  }
0x80: {  	_ =	swait.ge [sflag:s22], $0x80  }
0x81: {  	[sflag:s22] =	ssyncset.done $0x0  }
0x82: {  	[sflag:s22] =	ssyncadd.s32 $0xFFFFFF80  }
0x83: {  	[tilespmem:s24], [sflag:$0x1] =	stream.indirect.gather [hbm4b:s4+s23], $0x80, s3, s23, $0xb8;
	[tilespmem:$0x1BE00] =	vst v63  }
0x84: {  	_ = 	snop  }
0x85: {  	[tilespmem:s25], [sflag:$0x3] =	stream.linear.gather [hbm4b:s17+s3], $0x80, $0x38;
	[tilespmem:$0x1BE00] =	vst v63  }
0x86: {  	_ =	swait.ge [sflag:s31], $0x4000  }
0x87: {  	[sflag:s31] =	ssyncset.done $0x0  }
0x88: {  	[sflag:s31] =	ssyncadd.s32 $0xFFFFC000  }
0x89: {  	_ =	swait.ge [sflag:s0], $0x80  }
0x8a: {  	[sflag:s0] =	ssyncset.done $0x0  }
0x8b: {  	[sflag:s0] =	ssyncadd.s32 $0xFFFFFF80  }
0x8c: {  	[spmem:s2] =	stream.indirect.scatter.add.f32 [tilespmem:s26], [sflag:$0x5], $0x80, s28, s23, $0xb8;
	[tilespmem:$0x1BE00] =	vst v63  }
0x8d: {  	_ =	swait.ge [sflag:s22], $0x4000  }
0x8e: {  	[sflag:s22] =	ssyncset.done $0x0  }
0x8f: {  	[sflag:s22] =	ssyncadd.s32 $0xFFFFC000  }
0x90: {  	[tilespmem:s23], [sflag:$0x5] =	stream.linear.gather [hbm4b:s14+s3], $0x80, $0x38;
	[tilespmem:$0x1BE00] =	vst v63  }
0x91: {  	_ =	swait.ge [sflag:s22], $0x80  }
0x92: {  	[sflag:s22] =	ssyncset.done $0x0  }
0x93: {  	[sflag:s22] =	ssyncadd.s32 $0xFFFFFF80  }
0x94: {  	[tilespmem:s26], [sflag:$0x2] =	stream.indirect.gather [hbm4b:s4+s23], $0x80, s23, s23, $0xb8;
	[tilespmem:$0x1BE00] =	vst v63  }
0x95: {  	_ = 	snop  }
0x96: {  	[tilespmem:s28], [sflag:$0x4] =	stream.linear.gather [hbm4b:s15+s3], $0x80, $0x38;
	[tilespmem:$0x1BE00] =	vst v63  }
0x97: {  	_ =	swait.ge [sflag:s29], $0x4000  }
0x98: {  	[sflag:s29] =	ssyncset.done $0x0  }
0x99: {  	[sflag:s29] =	ssyncadd.s32 $0xFFFFC000  }
0x9a: {  	_ =	swait.ge [sflag:s30], $0x80  }
0x9b: {  	[sflag:s30] =	ssyncset.done $0x0  }
0x9c: {  	[sflag:s30] =	ssyncadd.s32 $0xFFFFFF80  }
0x9d: {  	[spmem:s2] =	stream.indirect.scatter.add.f32 [tilespmem:s24], [sflag:$0x5], $0x80, s25, s23, $0xb8;
	[tilespmem:$0x1BE00] =	vst v63  }
0x9e: {  	_ =	swait.ge [sflag:s22], $0x4000  }
0x9f: {  	[sflag:s22] =	ssyncset.done $0x0  }
0xa0: {  	[sflag:s22] =	ssyncadd.s32 $0xFFFFC000  }
0xa1: {  	[tilespmem:s3], [sflag:$0x5] =	stream.linear.gather [hbm4b:s14+s3], $0x80, $0x38;
	[tilespmem:$0x1BE00] =	vst v63  }
0xa2: {  	_ =	swait.ge [sflag:s22], $0x80  }
0xa3: {  	[sflag:s22] =	ssyncset.done $0x0  }
0xa4: {  	[sflag:s22] =	ssyncadd.s32 $0xFFFFFF80  }
0xa5: {  	[tilespmem:s24], [sflag:$0x1] =	stream.indirect.gather [hbm4b:s4+s23], $0x80, s3, s23, $0xb8;
	[tilespmem:$0x1BE00] =	vst v63  }
0xa6: {  	_ = 	snop  }
0xa7: {  	[tilespmem:s25], [sflag:$0x3] =	stream.linear.gather [hbm4b:s15+s3], $0x80, $0x38;
	[tilespmem:$0x1BE00] =	vst v63  }
0xa8: {  	_ =	swait.ge [sflag:s31], $0x4000  }
0xa9: {  	[sflag:s31] =	ssyncset.done $0x0  }
0xaa: {  	[sflag:s31] =	ssyncadd.s32 $0xFFFFC000  }
0xab: {  	_ =	swait.ge [sflag:s0], $0x80  }
0xac: {  	[sflag:s0] =	ssyncset.done $0x0  }
0xad: {  	[sflag:s0] =	ssyncadd.s32 $0xFFFFFF80  }
0xae: {  	[spmem:s2] =	stream.indirect.scatter.add.f32 [tilespmem:s26], [sflag:$0x5], $0x80, s28, s23, $0xb8;
	[tilespmem:$0x1BE00] =	vst v63  }
0xaf: {  	_ =	swait.ge [sflag:s22], $0x4000  }
0xb0: {  	[sflag:s22] =	ssyncset.done $0x0  }
0xb1: {  	[sflag:s22] =	ssyncadd.s32 $0xFFFFC000  }
0xb2: {  	[tilespmem:s23], [sflag:$0x5] =	stream.linear.gather [hbm4b:s14+s3], $0x80, $0x38;
	[tilespmem:$0x1BE00] =	vst v63  }
0xb3: {  	_ =	swait.ge [sflag:s22], $0x80  }
0xb4: {  	[sflag:s22] =	ssyncset.done $0x0  }
0xb5: {  	[sflag:s22] =	ssyncadd.s32 $0xFFFFFF80  }
0xb6: {  	[tilespmem:s26], [sflag:$0x2] =	stream.indirect.gather [hbm4b:s4+s23], $0x80, s23, s23, $0xb8;
	[tilespmem:$0x1BE00] =	vst v63  }
0xb7: {  	_ = 	snop  }
0xb8: {  	[tilespmem:s28], [sflag:$0x4] =	stream.linear.gather [hbm4b:s15+s3], $0x80, $0x38;
	[tilespmem:$0x1BE00] =	vst v63  }
0xb9: {  	_ =	swait.ge [sflag:s29], $0x4000  }
0xba: {  	[sflag:s29] =	ssyncset.done $0x0  }
0xbb: {  	[sflag:s29] =	ssyncadd.s32 $0xFFFFC000  }
0xbc: {  	_ =	swait.ge [sflag:s30], $0x80  }
0xbd: {  	[sflag:s30] =	ssyncset.done $0x0  }
0xbe: {  	[sflag:s30] =	ssyncadd.s32 $0xFFFFFF80  }
0xbf: {  	_ =	swait.ge [sflag:s31], $0x4000  }
0xc0: {  	[sflag:s31] =	ssyncset.done $0x0  }
0xc1: {  	[sflag:s31] =	ssyncadd.s32 $0xFFFFC000  }
0xc2: {  	_ =	swait.ge [sflag:s0], $0x80  }
0xc3: {  	s1 =	sadd.s32 $0x1, s1;
	[sflag:s0] =	ssyncset.done $0x0  }
0xc4: {  	p0 =	sne.s32 s1, s13;
	[sflag:s0] =	ssyncadd.s32 $0xFFFFFF80  }
.Ltmp1:
0xc5: {  	[bflag:$0x0] =	sbarrier.arrive $0xFFFF;
	(pc) =	sbr.rel @p0 .LBB2_1-.Ltmp1, $4  }
0xc6: {  	[hbm:s12], [sflag:s7] =	dma.local [spmem:s5], $0x2780  }
0xc7: {  	_ =	swait.ge [sflag:s22], $0x2780  }
0xc8: {  	[sflag:s22] =	ssyncset.done $0x0  }
0xc9: {  	[sflag:s22] =	ssyncadd.s32 $0xFFFFD880  }
0xca: {  	_ =	sfence.sel $0x180000  }
0xcb: {  	[bflag:$0x0] =	sbarrier.arrive $0xFFFF  }
0xcc: {  	_ =	strace $0x9000004A  }
0xcd: {  	s0 =	stileid.u32;
	[bflag:$0x2] =	sbarrier.arrive $0xFFFF  }
0xce: {  	p0 =	sne.s32 s0, $0x0;
	s0 =	rddreg [dreg:$0x3]  }
0xcf: {  	s0 =	sadd.s32 @!p0 $0x100000, s0  }
0xd0: {  	[sflag:s0] =	ssyncadd.tile.s32 @!p0 $0x1;
	_ =	shalt  }
.Lfunc_end2:
_tile_overlayer_lowered:
.L_overlay_start_2:
0xd1: {  	(tag) =	ssettag $0x2  }
0xd2: {  	s0 =	rddreg [dreg:$0x0];
	s2 =	stileid.u32  }
0xd3: {  	s1 =	rddreg [dreg:$0x1];
	p0 =	sne.s32 s2, $0x0  }
0xd4: {  	s3 =	rddreg [dreg:$0x2];
	[bflag:$0x3] =	sbarrier.arrive $0xFFFF;
	s2 =	simm.s32 @!p0 $0x1C05  }
0xd5: {  	[timem:s3], [sflag:s2] =	dma.local @!p0 [hbm:s0], s1  }
0xd6: {  	s0 =	simm.s32 @!p0 $0x5  }
0xd7: {  	_ =	swait.ge @!p0 [sflag:s0], s1  }
0xd8: {  	s1 =	ssub.s32 @!p0 $0x0, s1;
	[sflag:s0] =	ssyncset.done @!p0 $0x0  }
0xd9: {  	[sflag:s0] =	ssyncadd.s32 @!p0 s1  }
0xda: {  	[bflag:$0x3] =	sbarrier.arrive $0xFFFF  }
0xdb: {  	_ =	shalt  }

// kernel: kernel.14.cloned.1.call-start
scs
__scs_entry_jumppad:
0x0: {  	(pc) =	sbr.rel $0x88, $3  }
0x1: {  	(tag) =	ssettag $0x0;
	lr =	simm.s32 $0x1  }
0x2: {  	[smem:$0x3F97] =	sst lr;
	_ =	strace $0xD0000000  }
0x3: {  	_ = 	snop  }
0x4: {  	_ = 	snop  }
0x5: {  	_ = 	snop  }
0x6: {  	_ = 	snop  }
0x7: {  	_ = 	snop  }
__scs_overlays_trampoline_lowered:
0x8: {  	[smem:$0x3FA6] =	sst s0  }
0x9: {  	[smem:$0x3FA7] =	sst s1  }
0xa: {  	[smem:$0x3FA8] =	sst s2  }
0xb: {  	[smem:$0x3FA9] =	sst s3  }
0xc: {  	[smem:$0x3FAA] =	sst s4  }
0xd: {  	[smem:$0x3FAB] =	sst s5  }
0xe: {  	[smem:$0x3FAC] =	sst s6  }
0xf: {  	[smem:$0x3FAD] =	sst s7  }
0x10: {  	[smem:$0x3FAE] =	sst s8  }
0x11: {  	[smem:$0x3FAF] =	sst s9;
	s0 =	simm.s32 @!p0 $0x0  }
0x12: {  	s1 =	sld [smem:$0x3F95];
	s0 =	simm.s32 @p0 $0x1  }
0x13: {  	[smem:$0x3FB0] =	sst s0;
	s0 =	simm.s32 @!p1 $0x0  }
0x14: {  	s2 =	sld [smem:$0x3F94];
	s0 =	simm.s32 @p1 $0x1  }
0x15: {  	[smem:$0x3FB1] =	sst s0;
	s0 =	simm.s32 @!p2 $0x0  }
0x16: {  	s3 =	sld [smem:$0x3FDB];
	s0 =	simm.s32 @p2 $0x1  }
0x17: {  	s4 =	simm.s32 $0x1BF5;
	[smem:$0x3FB3] =	sst s0  }
0x18: {  	s0 =	sld [smem:$0x3F96];
	_ =	swait.ge [sflag:s4], $0x0  }
0x19: {  	s7 =	sld [smem:$0x3F97]  }
0x1a: {  	s8 =	sadd.s32 $0xFFFFE003, lr  }
0x1b: {  	s9 =	sadd.s32 $0xFFFFFEF7, lr;
	s5 =	simm.s32 $0xFFFFFFFF;
	p2 =	slt.u32 s8, $0xFFFFF086  }
0x1c: {  	p1 =	slt.u32 s9, $0xF7A;
	s5 =	simm.s32 @!p2 $0x0  }
0x1d: {  	s5 =	simm.s32 @p1 $0x1;
	p0 =	seq.s32 s7, s2  }
0x1e: {  	s7 =	smul.u32 @!p0 $0xF7A, s2;
	p2 =	seq.s32 @!p0 s5, $0x0  }
0x1f: {  	s9 =	smul.u32 $0xF7A, s1;
	s8 =	simm.s32 @!p0 $0x1BF5;
	p2 =	por !p2, p0  }
0x20: {  	[sflag:s8] =	ssyncset.s32 @!p0 $0xFFFFF086;
	s6 =	sadd.s32 @!p0 s3, s7;
	s7 =	simm.s32 @!p0 $0x108  }
0x21: {  	s3 =	sadd.s32 s3, s9;
	s6 =	sadd.s32 @!p0 $0x88, s6;
	s7 =	simm.s32 @p2 $0x1082  }
0x22: {  	[simem:s7], [sflag:s8] =	dma.local @!p0 [hbm:s6], $0xF7A  }
0x23: {  	s9 =	sor.u32 $0xD0000000, s2;
	s6 =	simm.s32 $0x108;
	_ =	swait.ge @!p0 [sflag:s8], $0x0  }
0x24: {  	s3 =	sadd.s32 $0x88, s3;
	s6 =	simm.s32 @!p1 $0x1082;
	[sflag:s4] =	ssyncset.s32 $0xFFFFF086  }
0x25: {  	[simem:s6], [sflag:s4] =	dma.local [hbm:s3], $0xF7A  }
0x26: {  	[smem:$0x3F97] =	sst s1;
	(tag) =	ssettag s2;
	_ =	strace s9  }
0x27: {  	s1 =	sld [smem:$0x3FA7]  }
0x28: {  	s2 =	sld [smem:$0x3FA8]  }
0x29: {  	s4 =	sld [smem:$0x3FAA]  }
0x2a: {  	p0 =	seq.s32 s5, $0x0;
	s5 =	sld [smem:$0x3FAB]  }
0x2b: {  	s6 =	sld [smem:$0x3FAC]  }
0x2c: {  	s7 =	sld [smem:$0x3FAD]  }
0x2d: {  	s3 =	simm.s32 $0x108;
	s8 =	sld [smem:$0x3FAE]  }
0x2e: {  	s3 =	simm.s32 @!p0 $0x1082;
	s9 =	sld [smem:$0x3FAF]  }
0x2f: {  	lr =	sadd.s32 s0, s3;
	s0 =	sld [smem:$0x3FA6]  }
0x30: {  	s3 =	sld [smem:$0x3FA9]  }
0x31: {  	[smem:$0x3FB2] =	sst s10  }
0x32: {  	s10 =	sld [smem:$0x3FB0];
	_ =	sdelay $0x3  }
0x33: {  	p0 =	seq.s32 s10, $0x1;
	s10 =	sld [smem:$0x3FB2];
	_ =	sdelay $0x3  }
0x34: {  	[smem:$0x3FB2] =	sst s10  }
0x35: {  	s10 =	sld [smem:$0x3FB1];
	_ =	sdelay $0x3  }
0x36: {  	p1 =	seq.s32 s10, $0x1;
	s10 =	sld [smem:$0x3FB2];
	_ =	sdelay $0x3  }
0x37: {  	[smem:$0x3FB2] =	sst s10  }
0x38: {  	s10 =	sld [smem:$0x3FB3]  }
0x39: {  	_ = 	snop;
	(pc) =	sbr.ind lr, $3  }
0x3a: {  	_ = 	snop  }
0x3b: {  	_ = 	snop  }
0x3c: {  	p2 =	seq.s32 s10, $0x1;
	s10 =	sld [smem:$0x3FB2]  }
0x3d: {  	_ =	shalt  }
0x3e: {  	_ =	shalt  }
0x3f: {  	_ =	shalt  }
0x40: {  	_ =	shalt  }
0x41: {  	_ =	shalt  }
0x42: {  	_ =	shalt  }
0x43: {  	_ =	shalt  }
0x44: {  	_ =	shalt  }
0x45: {  	_ =	shalt  }
0x46: {  	_ =	shalt  }
0x47: {  	_ =	shalt  }
0x48: {  	_ =	shalt  }
0x49: {  	_ =	shalt  }
0x4a: {  	_ =	shalt  }
0x4b: {  	_ =	shalt  }
0x4c: {  	_ =	shalt  }
0x4d: {  	_ =	shalt  }
0x4e: {  	_ =	shalt  }
0x4f: {  	_ =	shalt  }
0x50: {  	_ =	shalt  }
0x51: {  	_ =	shalt  }
0x52: {  	_ =	shalt  }
0x53: {  	_ =	shalt  }
0x54: {  	_ =	shalt  }
0x55: {  	_ =	shalt  }
0x56: {  	_ =	shalt  }
0x57: {  	_ =	shalt  }
0x58: {  	_ =	shalt  }
0x59: {  	_ =	shalt  }
0x5a: {  	_ =	shalt  }
0x5b: {  	_ =	shalt  }
0x5c: {  	_ =	shalt  }
0x5d: {  	_ =	shalt  }
0x5e: {  	_ =	shalt  }
0x5f: {  	_ =	shalt  }
0x60: {  	_ =	shalt  }
0x61: {  	_ =	shalt  }
0x62: {  	_ =	shalt  }
0x63: {  	_ =	shalt  }
0x64: {  	_ =	shalt  }
0x65: {  	_ =	shalt  }
0x66: {  	_ =	shalt  }
0x67: {  	_ =	shalt  }
0x68: {  	_ =	shalt  }
0x69: {  	_ =	shalt  }
0x6a: {  	_ =	shalt  }
0x6b: {  	_ =	shalt  }
0x6c: {  	_ =	shalt  }
0x6d: {  	_ =	shalt  }
0x6e: {  	_ =	shalt  }
0x6f: {  	_ =	shalt  }
0x70: {  	_ =	shalt  }
0x71: {  	_ =	shalt  }
0x72: {  	_ =	shalt  }
0x73: {  	_ =	shalt  }
0x74: {  	_ =	shalt  }
0x75: {  	_ =	shalt  }
0x76: {  	_ =	shalt  }
0x77: {  	_ =	shalt  }
0x78: {  	_ =	shalt  }
0x79: {  	_ =	shalt  }
0x7a: {  	_ =	shalt  }
0x7b: {  	_ =	shalt  }
0x7c: {  	_ =	shalt  }
0x7d: {  	_ =	shalt  }
0x7e: {  	_ =	shalt  }
0x7f: {  	_ =	shalt  }
0x80: {  	_ =	shalt  }
0x81: {  	_ =	shalt  }
0x82: {  	_ =	shalt  }
0x83: {  	_ =	shalt  }
0x84: {  	_ =	shalt  }
0x85: {  	_ =	shalt  }
0x86: {  	_ =	shalt  }
0x87: {  	_ =	shalt  }
.Lfunc_end0:
.L_simem_size_0:
called_computation.2_lowered:
.L_overlay_start_0:
0x88: {  	s2 =	sld [smem:$0x3FD9]  }
0x89: {  	s3 =	sld [smem:$0x3FFE];
	_ =	sdelay $0x1  }
0x8a: {  	s1 =	srdreg.scid  }
0x8b: {  	s0 =	sand.u32 $0x1, s1  }
0x8c: {  	s17 =	sshll.u32 s0, $0xA;
	s2 =	sadd.s32 s3, s2  }
0x8d: {  	s2 =	sadd.s32 s2, s17  }
0x8e: {  	[smem:$0x3FBE] =	sst s2  }
0x8f: {  	_ = 	snop  }
0x90: {  	s2 =	sld [smem:$0x3FD0];
	(tm) =	ssettm $0x1  }
0x91: {  	s18 =	sld [smem:$0x3FFB];
	_ =	sdelay $0x3  }
0x92: {  	_ =	strace s18  }
0x93: {  	s3 =	sld [smem:$0x3FFC];
	_ =	sdelay $0x3  }
0x94: {  	_ =	strace s3  }
0x95: {  	s3 =	sld [smem:$0x3FFD];
	_ =	sdelay $0x3  }
0x96: {  	_ =	strace s3  }
0x97: {  	_ =	strace $0x8FFFFFFF  }
0x98: {  	s19 =	sld [smem:$0x3FDB];
	_ =	sdelay $0x1  }
0x99: {  	s4 =	simm.s32 $_scs_section_size  }
0x9a: {  	s5 =	simm.s32 $_size__tile_overlayer_lowered;
	s6 =	simm.s32 $_tile_overlayer_lowered  }
0x9b: {  	s22 =	simm.s32 $0x1BFF;
	s21 =	sshll.u32 s6, $0x1;
	s3 =	sadd.s32 s4, s19  }
0x9c: {  	s7 =	simm.s32 $0x0;
	s20 =	sshll.u32 s5, $0x1;
	s5 =	sadd.s32 s21, s3  }
0x9d: {  	[timem:s7], [sflag:s22] =	dma.local [hbm:s5], s20  }
0x9e: {  	_ =	swait.ge [sflag:s22], s20  }
0x9f: {  	s4 =	ssub.s32 $0x0, s20;
	[sflag:s22] =	ssyncset.done $0x0  }
0xa0: {  	[sflag:s22] =	ssyncadd.s32 s4;
	_ =	sdelay $0x1  }
0xa1: {  	s23 =	simm.s32 $0x1B8B  }
0xa2: {  	_ =	swait.ge [sflag:s23], $0x1  }
0xa3: {  	[sflag:s23] =	ssyncset.done $0x0  }
0xa4: {  	s25 =	simm.s32 $0x1B8E;
	s24 =	sld [smem:$0x3FFE];
	[sflag:s23] =	ssyncadd.s32 $0xFFFFFFFF  }
0xa5: {  	s26 =	simm.s32 $execute0_lowered;
	[smem:$0x3FD2] =	sst s25  }
0xa6: {  	s5 =	sshll.u32 s26, $0x1;
	_ =	strace $0x8000004C;
	[dreg:$0x1] =	wrdreg $0xFFFFFFFF  }
0xa7: {  	s28 =	simm.s32 $_size_execute0_lowered;
	s3 =	sadd.s32 s3, s5;
	[dreg:$0x0] =	wrdreg $0x0  }
0xa8: {  	s5 =	sshll.u32 s28, $0x1;
	[dreg:$0x2] =	wrdreg s3  }
0xa9: {  	[dreg:$0x3] =	wrdreg s5  }
0xaa: {  	[dreg:$0x4] =	wrdreg $0xC0  }
0xab: {  	_ =	task [dreg:s7], $0x5FFFF  }
0xac: {  	[dreg:$0x1] =	wrdreg $0xFFFFFFFF  }
0xad: {  	[dreg:$0x0] =	wrdreg $0x60  }
0xae: {  	[dreg:$0x2] =	wrdreg s2  }
0xaf: {  	[dreg:$0x3] =	wrdreg s24  }
0xb0: {  	[dreg:$0x4] =	wrdreg $0x82000  }
0xb1: {  	[dreg:$0x5] =	wrdreg $0x9  }
0xb2: {  	_ =	task.clear_ibuf [dreg:s7], $0x6FFFF;
	_ =	strace $0x9000004C  }
0xb3: {  	s29 =	simm.s32 $0x9;
	_ =	strace $0x8000004E  }
0xb4: {  	_ =	swait.ge [sflag:s29], $0x1  }
0xb5: {  	[sflag:s29] =	ssyncadd.s32 $0xFFFFFFFF  }
0xb6: {  	_ =	strace $0x9000004E  }
0xb7: {  	_ =	sfence  }
0xb8: {  	s30 =	sld [smem:$0x0];
	_ =	sdelay $0x2  }
0xb9: {  	s31 =	sshll.u32 s1, $0xD;
	s1 =	sshrl.u32 s1, $0x2  }
0xba: {  	s3 =	sand.u32 $0x4000, s31;
	s1 =	sadd.s32 s1, s30  }
0xbb: {  	s0 =	sor.u32 s3, s0;
	s1 =	sshll.u32 s1, $0x11  }
0xbc: {  	s0 =	sor.u32 s1, s0  }
0xbd: {  	s0 =	sadd.s32 $0x8F2B, s0  }
0xbe: {  	[sflag:s0] =	ssyncadd.remote.s32 $0x1  }
0xbf: {  	_ =	sfence.sel $0xFFFF  }
0xc0: {  	[dreg:$0x0] =	wrdreg $0xFFFFFFFF;
	(pc) =	sbr.abs _section_cstart, $3  }
0xc1: {  	[dreg:$0x1] =	wrdreg $0xFFFFFFFF  }
0xc2: {  	_ =	task.clear_ibuf [dreg:s7], $0x2FFFF;
	_ =	strace $0x9FFFFFFF  }
0xc3: {  	(tm) =	ssettm $0x7FFFFFFF  }
tec
execute0_lowered:
.L_overlay_start_1:
0x0: {  	(tag) =	ssettag $0x1  }
0x1: {  	s0 =	rddreg [dreg:$0x0]  }
0x2: {  	s1 =	rddreg [dreg:$0x1]  }
0x3: {  	s2 =	rddreg [dreg:$0x2];
	s12 =	stileid.u32  }
0x4: {  	s3 =	simm.s32 $0x0;
	s4 =	srdreg.scid;
	s28 =	simm.s32 $0x8180  }
0x5: {  	s29 =	simm.s32 $0x1;
	s30 =	simm.s32 $0x3;
	s31 =	simm.s32 $0x2  }
0x6: {  	s5 =	smul.u32 $0x13C00, s12;
	[smem:$0x7FF] =	sst s3;
	s6 =	sand.u32 $0x1, s4  }
0x7: {  	s20 =	sadd.s32 $0x2800, s1;
	s4 =	sadd.s32 $0x34000, s1;
	s17 =	smul.u32 $0x4F000, s12  }
0x8: {  	s19 =	sshll.u32 s12, $0x6;
	s16 =	smul.u32 $0x2800, s12;
	_ =	strace $0x8000004D  }
0x9: {  	s8 =	smul.u32 $0x13C000, s6;
	s9 =	sshll.u32 s6, $0x4;
	s10 =	ssub.s32 $0x2, s6  }
0xa: {  	s6 =	smul.u32 $0x28000, s6;
	s7 =	sshrl.u32 s5, $0x3;
	s9 =	sor.u32 s12, s9  }
0xb: {  	s11 =	sshrl.u32 s10, $0x1;
	s7 =	sadd.s32 s7, s1;
	s5 =	sadd.s32 s5, s8  }
0xc: {  	s8 =	sshrl.u32 s17, $0x2;
	s9 =	smul.u32 $0x2800, s9;
	s18 =	ssub.s32 s10, s11  }
0xd: {  	s25 =	sadd.s32 s16, s6;
	s5 =	sshrl.u32 s5, $0x3;
	s8 =	sadd.s32 s8, s2  }
0xe: {  	s7 =	sadd.s32 $0xC800, s7;
	s13 =	smax.u32 s18, $0x1;
	[dreg:$0x4] =	wrdreg s8  }
0xf: {  	s6 =	sor.u32 $0x100, s25;
	s1 =	sadd.s32 s5, s1;
	[dreg:$0x5] =	wrdreg s7  }
0x10: {  	s21 =	sshrl.u32 s9, $0x3;
	s7 =	sor.u32 $0x1C05, s19;
	s5 =	sor.u32 $0x180, s25  }
0x11: {  	s26 =	sshrl.u32 s6, $0x3;
	s25 =	simm.s32 $0x8100;
	s9 =	sadd.s32 s0, s21  }
0x12: {  	s22 =	sor.u32 $0x10, s21;
	s23 =	sadd.s32 s20, s21;
	s15 =	sadd.s32 $0x4F0, s21  }
0x13: {  	s12 =	sadd.s32 $0x5B200, s1;
	s24 =	sadd.s32 $0x4E0, s21;
	s5 =	sshrl.u32 s5, $0x3  }
0x14: {  	s18 =	sadd.s32 s26, s20;
	s19 =	sadd.s32 s26, s0;
	[dreg:$0x6] =	wrdreg s9  }
0x15: {  	s26 =	simm.s32 $0x4100;
	s1 =	simm.s32 $0x0;
	[dreg:$0x7] =	wrdreg s23  }
0x16: {  	s10 =	sadd.s32 s0, s22;
	s11 =	sadd.s32 s20, s22;
	s14 =	sadd.s32 s0, s15  }
0x17: {  	s15 =	sadd.s32 s20, s15;
	s16 =	sadd.s32 s0, s24;
	s17 =	sadd.s32 s20, s24  }
0x18: {  	s20 =	sadd.s32 s5, s20;
	s21 =	sadd.s32 s5, s0;
	s22 =	simm.s32 $0x5  }
0x19: {  	s23 =	simm.s32 $0x80;
	s24 =	simm.s32 $0x100;
	s0 =	simm.s32 $0x4  }
.LBB2_1:
0x1a: {  	s5 =	rddreg [dreg:$0x4]  }
0x1b: {  	s6 =	rddreg [dreg:$0x5];
	s5 =	sshrl.u32 s5, $0x3  }
0x1c: {  	[spmem:s5], [sflag:s7] =	dma.local [hbm:s6], $0x2780  }
0x1d: {  	_ =	swait.ge [sflag:s22], $0x2780  }
0x1e: {  	[sflag:s22] =	ssyncset.done $0x0  }
0x1f: {  	[sflag:s22] =	ssyncadd.s32 $0xFFFFD880  }
0x20: {  	[bflag:$0x0] =	sbarrier.arrive $0xFFFF  }
0x21: {  	s9 =	rddreg [dreg:$0x6]  }
0x22: {  	[tilespmem:s3], [sflag:$0x5] =	stream.linear.gather [hbm4b:s9+s3], $0x80, $0x38;
	[tilespmem:$0x1BE00] =	vst v63  }
0x23: {  	_ =	swait.ge [sflag:s22], $0x80  }
0x24: {  	[sflag:s22] =	ssyncset.done $0x0  }
0x25: {  	[sflag:s22] =	ssyncadd.s32 $0xFFFFFF80  }
0x26: {  	[tilespmem:s24], [sflag:$0x1] =	stream.indirect.gather [hbm4b:s4+s23], $0x80, s3, s23, $0xb8;
	[tilespmem:$0x1BE00] =	vst v63  }
0x27: {  	s8 =	rddreg [dreg:$0x7]  }
0x28: {  	[tilespmem:s25], [sflag:$0x3] =	stream.linear.gather [hbm4b:s8+s3], $0x80, $0x38;
	[tilespmem:$0x1BE00] =	vst v63  }
0x29: {  	_ = 	snop  }
0x2a: {  	[tilespmem:s23], [sflag:$0x5] =	stream.linear.gather [hbm4b:s10+s3], $0x80, $0x38;
	[tilespmem:$0x1BE00] =	vst v63  }
0x2b: {  	_ =	swait.ge [sflag:s22], $0x80  }
0x2c: {  	[sflag:s22] =	ssyncset.done $0x0  }
0x2d: {  	[sflag:s22] =	ssyncadd.s32 $0xFFFFFF80  }
0x2e: {  	[tilespmem:s26], [sflag:$0x2] =	stream.indirect.gather [hbm4b:s4+s23], $0x80, s23, s23, $0xb8;
	[tilespmem:$0x1BE00] =	vst v63  }
0x2f: {  	_ = 	snop  }
0x30: {  	[tilespmem:s28], [sflag:$0x4] =	stream.linear.gather [hbm4b:s11+s3], $0x80, $0x38;
	[tilespmem:$0x1BE00] =	vst v63  }
0x31: {  	_ =	swait.ge [sflag:s29], $0x4000  }
0x32: {  	[sflag:s29] =	ssyncset.done $0x0  }
0x33: {  	[sflag:s29] =	ssyncadd.s32 $0xFFFFC000  }
0x34: {  	_ =	swait.ge [sflag:s30], $0x80  }
0x35: {  	[sflag:s30] =	ssyncset.done $0x0  }
0x36: {  	[sflag:s30] =	ssyncadd.s32 $0xFFFFFF80  }
0x37: {  	[spmem:s2] =	stream.indirect.scatter.add.f32 [tilespmem:s24], [sflag:$0x5], $0x80, s25, s23, $0xb8;
	[tilespmem:$0x1BE00] =	vst v63  }
0x38: {  	_ =	swait.ge [sflag:s22], $0x4000  }
0x39: {  	[sflag:s22] =	ssyncset.done $0x0  }
0x3a: {  	s9 =	sadd.s32 $0x0, s19;
	[sflag:s22] =	ssyncadd.s32 $0xFFFFC000  }
0x3b: {  	[tilespmem:s3], [sflag:$0x5] =	stream.linear.gather [hbm4b:s9+s3], $0x80, $0x38;
	[tilespmem:$0x1BE00] =	vst v63  }
0x3c: {  	_ =	swait.ge [sflag:s22], $0x80  }
0x3d: {  	[sflag:s22] =	ssyncset.done $0x0  }
0x3e: {  	[sflag:s22] =	ssyncadd.s32 $0xFFFFFF80  }
0x3f: {  	[tilespmem:s24], [sflag:$0x1] =	stream.indirect.gather [hbm4b:s4+s23], $0x80, s3, s23, $0xb8;
	[tilespmem:$0x1BE00] =	vst v63  }
0x40: {  	s8 =	sadd.s32 $0x0, s18  }
0x41: {  	[tilespmem:s25], [sflag:$0x3] =	stream.linear.gather [hbm4b:s8+s3], $0x80, $0x38;
	[tilespmem:$0x1BE00] =	vst v63  }
0x42: {  	_ =	swait.ge [sflag:s31], $0x4000  }
0x43: {  	[sflag:s31] =	ssyncset.done $0x0  }
0x44: {  	[sflag:s31] =	ssyncadd.s32 $0xFFFFC000  }
0x45: {  	_ =	swait.ge [sflag:s0], $0x80  }
0x46: {  	[sflag:s0] =	ssyncset.done $0x0  }
0x47: {  	[sflag:s0] =	ssyncadd.s32 $0xFFFFFF80  }
0x48: {  	[spmem:s2] =	stream.indirect.scatter.add.f32 [tilespmem:s26], [sflag:$0x5], $0x80, s28, s23, $0xb8;
	[tilespmem:$0x1BE00] =	vst v63  }
0x49: {  	_ =	swait.ge [sflag:s22], $0x4000  }
0x4a: {  	[sflag:s22] =	ssyncset.done $0x0  }
0x4b: {  	s9 =	sadd.s32 $0x0, s21;
	[sflag:s22] =	ssyncadd.s32 $0xFFFFC000  }
0x4c: {  	[tilespmem:s23], [sflag:$0x5] =	stream.linear.gather [hbm4b:s9+s3], $0x80, $0x38;
	[tilespmem:$0x1BE00] =	vst v63  }
0x4d: {  	_ =	swait.ge [sflag:s22], $0x80  }
0x4e: {  	[sflag:s22] =	ssyncset.done $0x0  }
0x4f: {  	s6 =	simm.s32 $0x20;
	s8 =	sadd.s32 $0x0, s20;
	[sflag:s22] =	ssyncadd.s32 $0xFFFFFF80  }
0x50: {  	[tilespmem:s26], [sflag:$0x2] =	stream.indirect.gather [hbm4b:s4+s23], $0x80, s23, s23, $0xb8;
	[tilespmem:$0x1BE00] =	vst v63  }
.LBB2_2:
0x51: {  	[tilespmem:s28], [sflag:$0x4] =	stream.linear.gather [hbm4b:s8+s3], $0x80, $0x38;
	[tilespmem:$0x1BE00] =	vst v63  }
0x52: {  	s8 =	smov.u32 s6  }
0x53: {  	p0 =	sne.s32 s6, $0x4A0;
	s6 =	sadd.s32 $0x20, s6;
	_ =	swait.ge [sflag:s29], $0x4000  }
0x54: {  	[sflag:s29] =	ssyncset.done $0x0  }
0x55: {  	[sflag:s29] =	ssyncadd.s32 $0xFFFFC000  }
0x56: {  	_ =	swait.ge [sflag:s30], $0x80  }
0x57: {  	[sflag:s30] =	ssyncset.done $0x0  }
0x58: {  	[sflag:s30] =	ssyncadd.s32 $0xFFFFFF80  }
0x59: {  	[spmem:s2] =	stream.indirect.scatter.add.f32 [tilespmem:s24], [sflag:$0x5], $0x80, s25, s23, $0xb8;
	[tilespmem:$0x1BE00] =	vst v63  }
0x5a: {  	_ =	swait.ge [sflag:s22], $0x4000  }
0x5b: {  	[sflag:s22] =	ssyncset.done $0x0  }
0x5c: {  	s9 =	sadd.s32 s8, s19;
	[sflag:s22] =	ssyncadd.s32 $0xFFFFC000  }
0x5d: {  	[tilespmem:s3], [sflag:$0x5] =	stream.linear.gather [hbm4b:s9+s3], $0x80, $0x38;
	[tilespmem:$0x1BE00] =	vst v63  }
0x5e: {  	_ =	swait.ge [sflag:s22], $0x80  }
0x5f: {  	[sflag:s22] =	ssyncset.done $0x0  }
0x60: {  	[sflag:s22] =	ssyncadd.s32 $0xFFFFFF80  }
0x61: {  	[tilespmem:s24], [sflag:$0x1] =	stream.indirect.gather [hbm4b:s4+s23], $0x80, s3, s23, $0xb8;
	[tilespmem:$0x1BE00] =	vst v63  }
0x62: {  	s9 =	sadd.s32 s8, s18  }
0x63: {  	[tilespmem:s25], [sflag:$0x3] =	stream.linear.gather [hbm4b:s9+s3], $0x80, $0x38;
	[tilespmem:$0x1BE00] =	vst v63  }
0x64: {  	_ =	swait.ge [sflag:s31], $0x4000  }
0x65: {  	[sflag:s31] =	ssyncset.done $0x0  }
0x66: {  	[sflag:s31] =	ssyncadd.s32 $0xFFFFC000  }
0x67: {  	_ =	swait.ge [sflag:s0], $0x80  }
0x68: {  	[sflag:s0] =	ssyncset.done $0x0  }
0x69: {  	[sflag:s0] =	ssyncadd.s32 $0xFFFFFF80  }
0x6a: {  	[spmem:s2] =	stream.indirect.scatter.add.f32 [tilespmem:s26], [sflag:$0x5], $0x80, s28, s23, $0xb8;
	[tilespmem:$0x1BE00] =	vst v63  }
0x6b: {  	_ =	swait.ge [sflag:s22], $0x4000  }
0x6c: {  	[sflag:s22] =	ssyncset.done $0x0  }
0x6d: {  	s9 =	sadd.s32 s8, s21;
	[sflag:s22] =	ssyncadd.s32 $0xFFFFC000  }
0x6e: {  	[tilespmem:s23], [sflag:$0x5] =	stream.linear.gather [hbm4b:s9+s3], $0x80, $0x38;
	[tilespmem:$0x1BE00] =	vst v63  }
.Ltmp0:
0x6f: {  	_ =	swait.ge [sflag:s22], $0x80;
	(pc) =	sbr.rel @p0 .LBB2_2-.Ltmp0, $4  }
0x70: {  	[sflag:s22] =	ssyncset.done $0x0  }
0x71: {  	[sflag:s22] =	ssyncadd.s32 $0xFFFFFF80  }
0x72: {  	[tilespmem:s26], [sflag:$0x2] =	stream.indirect.gather [hbm4b:s4+s23], $0x80, s23, s23, $0xb8;
	[tilespmem:$0x1BE00] =	vst v63  }
0x73: {  	s8 =	sadd.s32 s8, s20  }
0x74: {  	[tilespmem:s28], [sflag:$0x4] =	stream.linear.gather [hbm4b:s8+s3], $0x80, $0x38;
	[tilespmem:$0x1BE00] =	vst v63  }
0x75: {  	_ =	swait.ge [sflag:s29], $0x4000  }
0x76: {  	[sflag:s29] =	ssyncset.done $0x0  }
0x77: {  	[sflag:s29] =	ssyncadd.s32 $0xFFFFC000  }
0x78: {  	_ =	swait.ge [sflag:s30], $0x80  }
0x79: {  	[sflag:s30] =	ssyncset.done $0x0  }
0x7a: {  	[sflag:s30] =	ssyncadd.s32 $0xFFFFFF80  }
0x7b: {  	[spmem:s2] =	stream.indirect.scatter.add.f32 [tilespmem:s24], [sflag:$0x5], $0x80, s25, s23, $0xb8;
	[tilespmem:$0x1BE00] =	vst v63  }
0x7c: {  	_ =	swait.ge [sflag:s22], $0x4000  }
0x7d: {  	[sflag:s22] =	ssyncset.done $0x0  }
0x7e: {  	[sflag:s22] =	ssyncadd.s32 $0xFFFFC000  }
0x7f: {  	[tilespmem:s3], [sflag:$0x5] =	stream.linear.gather [hbm4b:s16+s3], $0x80, $0x38;
	[tilespmem:$0x1BE00] =	vst v63  }
0x80: {  	_ =	swait.ge [sflag:s22], $0x80  }
0x81: {  	[sflag:s22] =	ssyncset.done $0x0  }
0x82: {  	[sflag:s22] =	ssyncadd.s32 $0xFFFFFF80  }
0x83: {  	[tilespmem:s24], [sflag:$0x1] =	stream.indirect.gather [hbm4b:s4+s23], $0x80, s3, s23, $0xb8;
	[tilespmem:$0x1BE00] =	vst v63  }
0x84: {  	_ = 	snop  }
0x85: {  	[tilespmem:s25], [sflag:$0x3] =	stream.linear.gather [hbm4b:s17+s3], $0x80, $0x38;
	[tilespmem:$0x1BE00] =	vst v63  }
0x86: {  	_ =	swait.ge [sflag:s31], $0x4000  }
0x87: {  	[sflag:s31] =	ssyncset.done $0x0  }
0x88: {  	[sflag:s31] =	ssyncadd.s32 $0xFFFFC000  }
0x89: {  	_ =	swait.ge [sflag:s0], $0x80  }
0x8a: {  	[sflag:s0] =	ssyncset.done $0x0  }
0x8b: {  	[sflag:s0] =	ssyncadd.s32 $0xFFFFFF80  }
0x8c: {  	[spmem:s2] =	stream.indirect.scatter.add.f32 [tilespmem:s26], [sflag:$0x5], $0x80, s28, s23, $0xb8;
	[tilespmem:$0x1BE00] =	vst v63  }
0x8d: {  	_ =	swait.ge [sflag:s22], $0x4000  }
0x8e: {  	[sflag:s22] =	ssyncset.done $0x0  }
0x8f: {  	[sflag:s22] =	ssyncadd.s32 $0xFFFFC000  }
0x90: {  	[tilespmem:s23], [sflag:$0x5] =	stream.linear.gather [hbm4b:s14+s3], $0x80, $0x38;
	[tilespmem:$0x1BE00] =	vst v63  }
0x91: {  	_ =	swait.ge [sflag:s22], $0x80  }
0x92: {  	[sflag:s22] =	ssyncset.done $0x0  }
0x93: {  	[sflag:s22] =	ssyncadd.s32 $0xFFFFFF80  }
0x94: {  	[tilespmem:s26], [sflag:$0x2] =	stream.indirect.gather [hbm4b:s4+s23], $0x80, s23, s23, $0xb8;
	[tilespmem:$0x1BE00] =	vst v63  }
0x95: {  	_ = 	snop  }
0x96: {  	[tilespmem:s28], [sflag:$0x4] =	stream.linear.gather [hbm4b:s15+s3], $0x80, $0x38;
	[tilespmem:$0x1BE00] =	vst v63  }
0x97: {  	_ =	swait.ge [sflag:s29], $0x4000  }
0x98: {  	[sflag:s29] =	ssyncset.done $0x0  }
0x99: {  	[sflag:s29] =	ssyncadd.s32 $0xFFFFC000  }
0x9a: {  	_ =	swait.ge [sflag:s30], $0x80  }
0x9b: {  	[sflag:s30] =	ssyncset.done $0x0  }
0x9c: {  	[sflag:s30] =	ssyncadd.s32 $0xFFFFFF80  }
0x9d: {  	[spmem:s2] =	stream.indirect.scatter.add.f32 [tilespmem:s24], [sflag:$0x5], $0x80, s25, s23, $0xb8;
	[tilespmem:$0x1BE00] =	vst v63  }
0x9e: {  	_ =	swait.ge [sflag:s22], $0x4000  }
0x9f: {  	[sflag:s22] =	ssyncset.done $0x0  }
0xa0: {  	[sflag:s22] =	ssyncadd.s32 $0xFFFFC000  }
0xa1: {  	[tilespmem:s3], [sflag:$0x5] =	stream.linear.gather [hbm4b:s14+s3], $0x80, $0x38;
	[tilespmem:$0x1BE00] =	vst v63  }
0xa2: {  	_ =	swait.ge [sflag:s22], $0x80  }
0xa3: {  	[sflag:s22] =	ssyncset.done $0x0  }
0xa4: {  	[sflag:s22] =	ssyncadd.s32 $0xFFFFFF80  }
0xa5: {  	[tilespmem:s24], [sflag:$0x1] =	stream.indirect.gather [hbm4b:s4+s23], $0x80, s3, s23, $0xb8;
	[tilespmem:$0x1BE00] =	vst v63  }
0xa6: {  	_ = 	snop  }
0xa7: {  	[tilespmem:s25], [sflag:$0x3] =	stream.linear.gather [hbm4b:s15+s3], $0x80, $0x38;
	[tilespmem:$0x1BE00] =	vst v63  }
0xa8: {  	_ =	swait.ge [sflag:s31], $0x4000  }
0xa9: {  	[sflag:s31] =	ssyncset.done $0x0  }
0xaa: {  	[sflag:s31] =	ssyncadd.s32 $0xFFFFC000  }
0xab: {  	_ =	swait.ge [sflag:s0], $0x80  }
0xac: {  	[sflag:s0] =	ssyncset.done $0x0  }
0xad: {  	[sflag:s0] =	ssyncadd.s32 $0xFFFFFF80  }
0xae: {  	[spmem:s2] =	stream.indirect.scatter.add.f32 [tilespmem:s26], [sflag:$0x5], $0x80, s28, s23, $0xb8;
	[tilespmem:$0x1BE00] =	vst v63  }
0xaf: {  	_ =	swait.ge [sflag:s22], $0x4000  }
0xb0: {  	[sflag:s22] =	ssyncset.done $0x0  }
0xb1: {  	[sflag:s22] =	ssyncadd.s32 $0xFFFFC000  }
0xb2: {  	[tilespmem:s23], [sflag:$0x5] =	stream.linear.gather [hbm4b:s14+s3], $0x80, $0x38;
	[tilespmem:$0x1BE00] =	vst v63  }
0xb3: {  	_ =	swait.ge [sflag:s22], $0x80  }
0xb4: {  	[sflag:s22] =	ssyncset.done $0x0  }
0xb5: {  	[sflag:s22] =	ssyncadd.s32 $0xFFFFFF80  }
0xb6: {  	[tilespmem:s26], [sflag:$0x2] =	stream.indirect.gather [hbm4b:s4+s23], $0x80, s23, s23, $0xb8;
	[tilespmem:$0x1BE00] =	vst v63  }
0xb7: {  	_ = 	snop  }
0xb8: {  	[tilespmem:s28], [sflag:$0x4] =	stream.linear.gather [hbm4b:s15+s3], $0x80, $0x38;
	[tilespmem:$0x1BE00] =	vst v63  }
0xb9: {  	_ =	swait.ge [sflag:s29], $0x4000  }
0xba: {  	[sflag:s29] =	ssyncset.done $0x0  }
0xbb: {  	[sflag:s29] =	ssyncadd.s32 $0xFFFFC000  }
0xbc: {  	_ =	swait.ge [sflag:s30], $0x80  }
0xbd: {  	[sflag:s30] =	ssyncset.done $0x0  }
0xbe: {  	[sflag:s30] =	ssyncadd.s32 $0xFFFFFF80  }
0xbf: {  	_ =	swait.ge [sflag:s31], $0x4000  }
0xc0: {  	[sflag:s31] =	ssyncset.done $0x0  }
0xc1: {  	[sflag:s31] =	ssyncadd.s32 $0xFFFFC000  }
0xc2: {  	_ =	swait.ge [sflag:s0], $0x80  }
0xc3: {  	s1 =	sadd.s32 $0x1, s1;
	[sflag:s0] =	ssyncset.done $0x0  }
0xc4: {  	p0 =	sne.s32 s1, s13;
	[sflag:s0] =	ssyncadd.s32 $0xFFFFFF80  }
.Ltmp1:
0xc5: {  	[bflag:$0x0] =	sbarrier.arrive $0xFFFF;
	(pc) =	sbr.rel @p0 .LBB2_1-.Ltmp1, $4  }
0xc6: {  	[hbm:s12], [sflag:s7] =	dma.local [spmem:s5], $0x2780  }
0xc7: {  	_ =	swait.ge [sflag:s22], $0x2780  }
0xc8: {  	[sflag:s22] =	ssyncset.done $0x0  }
0xc9: {  	[sflag:s22] =	ssyncadd.s32 $0xFFFFD880  }
0xca: {  	_ =	sfence.sel $0x180000  }
0xcb: {  	[bflag:$0x0] =	sbarrier.arrive $0xFFFF  }
0xcc: {  	_ =	strace $0x9000004D  }
0xcd: {  	s0 =	stileid.u32;
	[bflag:$0x2] =	sbarrier.arrive $0xFFFF  }
0xce: {  	p0 =	sne.s32 s0, $0x0;
	s0 =	rddreg [dreg:$0x3]  }
0xcf: {  	s0 =	sadd.s32 @!p0 $0x100000, s0  }
0xd0: {  	[sflag:s0] =	ssyncadd.tile.s32 @!p0 $0x1;
	_ =	shalt  }
.Lfunc_end2:
_tile_overlayer_lowered:
.L_overlay_start_2:
0xd1: {  	(tag) =	ssettag $0x2  }
0xd2: {  	s0 =	rddreg [dreg:$0x0];
	s2 =	stileid.u32  }
0xd3: {  	s1 =	rddreg [dreg:$0x1];
	p0 =	sne.s32 s2, $0x0  }
0xd4: {  	s3 =	rddreg [dreg:$0x2];
	[bflag:$0x3] =	sbarrier.arrive $0xFFFF;
	s2 =	simm.s32 @!p0 $0x1C05  }
0xd5: {  	[timem:s3], [sflag:s2] =	dma.local @!p0 [hbm:s0], s1  }
0xd6: {  	s0 =	simm.s32 @!p0 $0x5  }
0xd7: {  	_ =	swait.ge @!p0 [sflag:s0], s1  }
0xd8: {  	s1 =	ssub.s32 @!p0 $0x0, s1;
	[sflag:s0] =	ssyncset.done @!p0 $0x0  }
0xd9: {  	[sflag:s0] =	ssyncadd.s32 @!p0 s1  }
0xda: {  	[bflag:$0x3] =	sbarrier.arrive $0xFFFF  }
0xdb: {  	_ =	shalt  }

// kernel: kernel.8.cloned.1.call-start
scs
__scs_entry_jumppad:
0x0: {  	(pc) =	sbr.rel $0x88, $3  }
0x1: {  	(tag) =	ssettag $0x0;
	lr =	simm.s32 $0x1  }
0x2: {  	[smem:$0x3F97] =	sst lr;
	_ =	strace $0xD0000000  }
0x3: {  	_ = 	snop  }
0x4: {  	_ = 	snop  }
0x5: {  	_ = 	snop  }
0x6: {  	_ = 	snop  }
0x7: {  	_ = 	snop  }
__scs_overlays_trampoline_lowered:
0x8: {  	[smem:$0x3FA6] =	sst s0  }
0x9: {  	[smem:$0x3FA7] =	sst s1  }
0xa: {  	[smem:$0x3FA8] =	sst s2  }
0xb: {  	[smem:$0x3FA9] =	sst s3  }
0xc: {  	[smem:$0x3FAA] =	sst s4  }
0xd: {  	[smem:$0x3FAB] =	sst s5  }
0xe: {  	[smem:$0x3FAC] =	sst s6  }
0xf: {  	[smem:$0x3FAD] =	sst s7  }
0x10: {  	[smem:$0x3FAE] =	sst s8  }
0x11: {  	[smem:$0x3FAF] =	sst s9;
	s0 =	simm.s32 @!p0 $0x0  }
0x12: {  	s1 =	sld [smem:$0x3F95];
	s0 =	simm.s32 @p0 $0x1  }
0x13: {  	[smem:$0x3FB0] =	sst s0;
	s0 =	simm.s32 @!p1 $0x0  }
0x14: {  	s2 =	sld [smem:$0x3F94];
	s0 =	simm.s32 @p1 $0x1  }
0x15: {  	[smem:$0x3FB1] =	sst s0;
	s0 =	simm.s32 @!p2 $0x0  }
0x16: {  	s3 =	sld [smem:$0x3FDB];
	s0 =	simm.s32 @p2 $0x1  }
0x17: {  	s4 =	simm.s32 $0x1BF5;
	[smem:$0x3FB3] =	sst s0  }
0x18: {  	s0 =	sld [smem:$0x3F96];
	_ =	swait.ge [sflag:s4], $0x0  }
0x19: {  	s7 =	sld [smem:$0x3F97]  }
0x1a: {  	s8 =	sadd.s32 $0xFFFFE003, lr  }
0x1b: {  	s9 =	sadd.s32 $0xFFFFFEF7, lr;
	s5 =	simm.s32 $0xFFFFFFFF;
	p2 =	slt.u32 s8, $0xFFFFF086  }
0x1c: {  	p1 =	slt.u32 s9, $0xF7A;
	s5 =	simm.s32 @!p2 $0x0  }
0x1d: {  	s5 =	simm.s32 @p1 $0x1;
	p0 =	seq.s32 s7, s2  }
0x1e: {  	s7 =	smul.u32 @!p0 $0xF7A, s2;
	p2 =	seq.s32 @!p0 s5, $0x0  }
0x1f: {  	s9 =	smul.u32 $0xF7A, s1;
	s8 =	simm.s32 @!p0 $0x1BF5;
	p2 =	por !p2, p0  }
0x20: {  	[sflag:s8] =	ssyncset.s32 @!p0 $0xFFFFF086;
	s6 =	sadd.s32 @!p0 s3, s7;
	s7 =	simm.s32 @!p0 $0x108  }
0x21: {  	s3 =	sadd.s32 s3, s9;
	s6 =	sadd.s32 @!p0 $0x88, s6;
	s7 =	simm.s32 @p2 $0x1082  }
0x22: {  	[simem:s7], [sflag:s8] =	dma.local @!p0 [hbm:s6], $0xF7A  }
0x23: {  	s9 =	sor.u32 $0xD0000000, s2;
	s6 =	simm.s32 $0x108;
	_ =	swait.ge @!p0 [sflag:s8], $0x0  }
0x24: {  	s3 =	sadd.s32 $0x88, s3;
	s6 =	simm.s32 @!p1 $0x1082;
	[sflag:s4] =	ssyncset.s32 $0xFFFFF086  }
0x25: {  	[simem:s6], [sflag:s4] =	dma.local [hbm:s3], $0xF7A  }
0x26: {  	[smem:$0x3F97] =	sst s1;
	(tag) =	ssettag s2;
	_ =	strace s9  }
0x27: {  	s1 =	sld [smem:$0x3FA7]  }
0x28: {  	s2 =	sld [smem:$0x3FA8]  }
0x29: {  	s4 =	sld [smem:$0x3FAA]  }
0x2a: {  	p0 =	seq.s32 s5, $0x0;
	s5 =	sld [smem:$0x3FAB]  }
0x2b: {  	s6 =	sld [smem:$0x3FAC]  }
0x2c: {  	s7 =	sld [smem:$0x3FAD]  }
0x2d: {  	s3 =	simm.s32 $0x108;
	s8 =	sld [smem:$0x3FAE]  }
0x2e: {  	s3 =	simm.s32 @!p0 $0x1082;
	s9 =	sld [smem:$0x3FAF]  }
0x2f: {  	lr =	sadd.s32 s0, s3;
	s0 =	sld [smem:$0x3FA6]  }
0x30: {  	s3 =	sld [smem:$0x3FA9]  }
0x31: {  	[smem:$0x3FB2] =	sst s10  }
0x32: {  	s10 =	sld [smem:$0x3FB0];
	_ =	sdelay $0x3  }
0x33: {  	p0 =	seq.s32 s10, $0x1;
	s10 =	sld [smem:$0x3FB2];
	_ =	sdelay $0x3  }
0x34: {  	[smem:$0x3FB2] =	sst s10  }
0x35: {  	s10 =	sld [smem:$0x3FB1];
	_ =	sdelay $0x3  }
0x36: {  	p1 =	seq.s32 s10, $0x1;
	s10 =	sld [smem:$0x3FB2];
	_ =	sdelay $0x3  }
0x37: {  	[smem:$0x3FB2] =	sst s10  }
0x38: {  	s10 =	sld [smem:$0x3FB3]  }
0x39: {  	_ = 	snop;
	(pc) =	sbr.ind lr, $3  }
0x3a: {  	_ = 	snop  }
0x3b: {  	_ = 	snop  }
0x3c: {  	p2 =	seq.s32 s10, $0x1;
	s10 =	sld [smem:$0x3FB2]  }
0x3d: {  	_ =	shalt  }
0x3e: {  	_ =	shalt  }
0x3f: {  	_ =	shalt  }
0x40: {  	_ =	shalt  }
0x41: {  	_ =	shalt  }
0x42: {  	_ =	shalt  }
0x43: {  	_ =	shalt  }
0x44: {  	_ =	shalt  }
0x45: {  	_ =	shalt  }
0x46: {  	_ =	shalt  }
0x47: {  	_ =	shalt  }
0x48: {  	_ =	shalt  }
0x49: {  	_ =	shalt  }
0x4a: {  	_ =	shalt  }
0x4b: {  	_ =	shalt  }
0x4c: {  	_ =	shalt  }
0x4d: {  	_ =	shalt  }
0x4e: {  	_ =	shalt  }
0x4f: {  	_ =	shalt  }
0x50: {  	_ =	shalt  }
0x51: {  	_ =	shalt  }
0x52: {  	_ =	shalt  }
0x53: {  	_ =	shalt  }
0x54: {  	_ =	shalt  }
0x55: {  	_ =	shalt  }
0x56: {  	_ =	shalt  }
0x57: {  	_ =	shalt  }
0x58: {  	_ =	shalt  }
0x59: {  	_ =	shalt  }
0x5a: {  	_ =	shalt  }
0x5b: {  	_ =	shalt  }
0x5c: {  	_ =	shalt  }
0x5d: {  	_ =	shalt  }
0x5e: {  	_ =	shalt  }
0x5f: {  	_ =	shalt  }
0x60: {  	_ =	shalt  }
0x61: {  	_ =	shalt  }
0x62: {  	_ =	shalt  }
0x63: {  	_ =	shalt  }
0x64: {  	_ =	shalt  }
0x65: {  	_ =	shalt  }
0x66: {  	_ =	shalt  }
0x67: {  	_ =	shalt  }
0x68: {  	_ =	shalt  }
0x69: {  	_ =	shalt  }
0x6a: {  	_ =	shalt  }
0x6b: {  	_ =	shalt  }
0x6c: {  	_ =	shalt  }
0x6d: {  	_ =	shalt  }
0x6e: {  	_ =	shalt  }
0x6f: {  	_ =	shalt  }
0x70: {  	_ =	shalt  }
0x71: {  	_ =	shalt  }
0x72: {  	_ =	shalt  }
0x73: {  	_ =	shalt  }
0x74: {  	_ =	shalt  }
0x75: {  	_ =	shalt  }
0x76: {  	_ =	shalt  }
0x77: {  	_ =	shalt  }
0x78: {  	_ =	shalt  }
0x79: {  	_ =	shalt  }
0x7a: {  	_ =	shalt  }
0x7b: {  	_ =	shalt  }
0x7c: {  	_ =	shalt  }
0x7d: {  	_ =	shalt  }
0x7e: {  	_ =	shalt  }
0x7f: {  	_ =	shalt  }
0x80: {  	_ =	shalt  }
0x81: {  	_ =	shalt  }
0x82: {  	_ =	shalt  }
0x83: {  	_ =	shalt  }
0x84: {  	_ =	shalt  }
0x85: {  	_ =	shalt  }
0x86: {  	_ =	shalt  }
0x87: {  	_ =	shalt  }
.Lfunc_end0:
.L_simem_size_0:
called_computation_lowered:
.L_overlay_start_0:
0x88: {  	s2 =	sld [smem:$0x3FD9]  }
0x89: {  	s3 =	sld [smem:$0x3FFE];
	_ =	sdelay $0x1  }
0x8a: {  	s1 =	srdreg.scid  }
0x8b: {  	s0 =	sand.u32 $0x1, s1  }
0x8c: {  	s16 =	sshll.u32 s0, $0xA;
	s2 =	sadd.s32 s3, s2  }
0x8d: {  	s2 =	sadd.s32 s2, s16  }
0x8e: {  	[smem:$0x3FBE] =	sst s2  }
0x8f: {  	_ = 	snop  }
0x90: {  	(tm) =	ssettm $0x1  }
0x91: {  	s17 =	sld [smem:$0x3FFB];
	_ =	sdelay $0x3  }
0x92: {  	_ =	strace s17  }
0x93: {  	s2 =	sld [smem:$0x3FFC];
	_ =	sdelay $0x3  }
0x94: {  	_ =	strace s2  }
0x95: {  	s2 =	sld [smem:$0x3FFD];
	_ =	sdelay $0x3  }
0x96: {  	_ =	strace s2  }
0x97: {  	_ =	strace $0x8FFFFFFF  }
0x98: {  	s18 =	sld [smem:$0x3FDB];
	_ =	sdelay $0x1  }
0x99: {  	s19 =	simm.s32 $_scs_section_size  }
0x9a: {  	s4 =	simm.s32 $_size__tile_overlayer_lowered;
	s5 =	simm.s32 $_tile_overlayer_lowered  }
0x9b: {  	s22 =	simm.s32 $0x1BFF;
	s21 =	sshll.u32 s5, $0x1;
	s2 =	sadd.s32 s19, s18  }
0x9c: {  	s6 =	simm.s32 $0x0;
	s20 =	sshll.u32 s4, $0x1;
	s4 =	sadd.s32 s21, s2  }
0x9d: {  	[timem:s6], [sflag:s22] =	dma.local [hbm:s4], s20  }
0x9e: {  	_ =	swait.ge [sflag:s22], s20  }
0x9f: {  	s3 =	ssub.s32 $0x0, s20;
	[sflag:s22] =	ssyncset.done $0x0  }
0xa0: {  	[sflag:s22] =	ssyncadd.s32 s3;
	_ =	sdelay $0x1  }
0xa1: {  	s23 =	simm.s32 $0x1B8B  }
0xa2: {  	_ =	swait.ge [sflag:s23], $0x1  }
0xa3: {  	[sflag:s23] =	ssyncset.done $0x0  }
0xa4: {  	s25 =	simm.s32 $0x1B8E;
	s24 =	sld [smem:$0x3FFE];
	[sflag:s23] =	ssyncadd.s32 $0xFFFFFFFF  }
0xa5: {  	s26 =	simm.s32 $execute0_lowered;
	[smem:$0x3FD2] =	sst s25  }
0xa6: {  	s4 =	sshll.u32 s26, $0x1;
	_ =	strace $0x80000046;
	[dreg:$0x1] =	wrdreg $0xFFFFFFFF  }
0xa7: {  	s28 =	simm.s32 $_size_execute0_lowered;
	s2 =	sadd.s32 s2, s4;
	[dreg:$0x0] =	wrdreg $0x0  }
0xa8: {  	s4 =	sshll.u32 s28, $0x1;
	[dreg:$0x2] =	wrdreg s2  }
0xa9: {  	[dreg:$0x3] =	wrdreg s4  }
0xaa: {  	[dreg:$0x4] =	wrdreg $0xC0  }
0xab: {  	_ =	task [dreg:s6], $0x5FFFF  }
0xac: {  	[dreg:$0x1] =	wrdreg $0xFFFFFFFF  }
0xad: {  	[dreg:$0x0] =	wrdreg $0x60  }
0xae: {  	[dreg:$0x2] =	wrdreg s24  }
0xaf: {  	[dreg:$0x3] =	wrdreg $0x40800  }
0xb0: {  	[dreg:$0x4] =	wrdreg $0x9  }
0xb1: {  	_ =	task.clear_ibuf [dreg:s6], $0x5FFFF;
	_ =	strace $0x90000046  }
0xb2: {  	s29 =	simm.s32 $0x9;
	_ =	strace $0x80000048  }
0xb3: {  	_ =	swait.ge [sflag:s29], $0x1  }
0xb4: {  	[sflag:s29] =	ssyncadd.s32 $0xFFFFFFFF  }
0xb5: {  	_ =	strace $0x90000048  }
0xb6: {  	_ =	sfence  }
0xb7: {  	s30 =	sld [smem:$0x0];
	_ =	sdelay $0x2  }
0xb8: {  	s31 =	sshll.u32 s1, $0xD;
	s1 =	sshrl.u32 s1, $0x2  }
0xb9: {  	s3 =	sand.u32 $0x4000, s31;
	s1 =	sadd.s32 s1, s30  }
0xba: {  	s0 =	sor.u32 s3, s0;
	s1 =	sshll.u32 s1, $0x11  }
0xbb: {  	s0 =	sor.u32 s1, s0  }
0xbc: {  	s0 =	sadd.s32 $0x8F2B, s0  }
0xbd: {  	[sflag:s0] =	ssyncadd.remote.s32 $0x1  }
0xbe: {  	_ =	sfence.sel $0xFFFF  }
0xbf: {  	[dreg:$0x0] =	wrdreg $0xFFFFFFFF;
	(pc) =	sbr.abs _section_cstart, $3  }
0xc0: {  	[dreg:$0x1] =	wrdreg $0xFFFFFFFF  }
0xc1: {  	_ =	task.clear_ibuf [dreg:s6], $0x2FFFF;
	_ =	strace $0x9FFFFFFF  }
0xc2: {  	(tm) =	ssettm $0x7FFFFFFF  }
0xc3: {  	_ =	shalt  }
tec
execute0_lowered:
.L_overlay_start_1:
0x0: {  	(tag) =	ssettag $0x1  }
0x1: {  	s5 =	rddreg [dreg:$0x0]  }
0x2: {  	s2 =	rddreg [dreg:$0x1];
	s1 =	stileid.u32  }
0x3: {  	s0 =	rddreg [dreg:$0x2];
	s7 =	smul.u32 $0x13C00, s1  }
0x4: {  	s4 =	srdreg.scid;
	s28 =	smul.u32 $0x4F000, s1  }
0x5: {  	s3 =	simm.s32 $0x0;
	s6 =	sand.u32 $0x1, s4;
	s12 =	smul.u32 $0x500, s1  }
0x6: {  	[smem:$0x7FF] =	sst s3;
	s31 =	sshll.u32 s1, $0x6;
	s4 =	smul.u32 $0x5000, s6  }
0x7: {  	_ =	strace $0x80000047;
	s9 =	smul.u32 $0x13C000, s6;
	s6 =	ssub.s32 $0x2, s6  }
0x8: {  	s8 =	sshrl.u32 s7, $0x3;
	s11 =	sshrl.u32 s6, $0x1;
	s29 =	sshrl.u32 s28, $0x2  }
0x9: {  	s10 =	sadd.s32 s4, s5;
	s8 =	sadd.s32 s8, s5;
	s4 =	sadd.s32 $0x34000, s5  }
0xa: {  	s7 =	sadd.s32 s7, s9;
	s11 =	ssub.s32 s6, s11;
	s13 =	sadd.s32 s29, s2  }
0xb: {  	s9 =	simm.s32 $0x80;
	s7 =	sshrl.u32 s7, $0x3;
	s30 =	sadd.s32 s12, s10  }
0xc: {  	s10 =	simm.s32 $0x1;
	s12 =	sshrl.u32 s13, $0x3;
	s13 =	simm.s32 $0x0  }
0xd: {  	s7 =	sadd.s32 s7, s5;
	s5 =	sadd.s32 $0xC800, s8;
	s8 =	sadd.s32 $0x2800, s30  }
0xe: {  	s6 =	sadd.s32 $0x34800, s7;
	s7 =	smax.u32 s11, $0x1;
	s11 =	sor.u32 $0x1C01, s31  }
.LBB2_1:
0xf: {  	[tilespmem:s9], [sflag:$0x1] =	stream.linear.gather [hbm4b:s4+s3], $0x4000, $0x38;
	[tilespmem:$0x17C80] =	vst v63  }
0x10: {  	_ =	swait.ge [sflag:s10], $0x4000  }
0x11: {  	[sflag:s10] =	ssyncset.done $0x0  }
0x12: {  	[sflag:s10] =	ssyncadd.s32 $0xFFFFC000  }
0x13: {  	[spmem:s12], [sflag:s11] =	dma.local [hbm:s5], $0x2780  }
0x14: {  	_ =	swait.ge [sflag:s10], $0x2780  }
0x15: {  	[sflag:s10] =	ssyncset.done $0x0  }
0x16: {  	[sflag:s10] =	ssyncadd.s32 $0xFFFFD880  }
0x17: {  	s14 =	sadd.s32 $0x0, s8;
	[bflag:$0x0] =	sbarrier.arrive $0xFFFF  }
0x18: {  	[tilespmem:s3], [sflag:$0x1] =	stream.linear.gather [hbm4b:s14+s3], $0x80, $0x38;
	[tilespmem:$0x17C80] =	vst v63  }
0x19: {  	_ =	swait.ge [sflag:s10], $0x80  }
0x1a: {  	[sflag:s10] =	ssyncset.done $0x0  }
0x1b: {  	[sflag:s10] =	ssyncadd.s32 $0xFFFFFF80  }
0x1c: {  	[spmem:s2] =	stream.indirect.scatter.add.f32 [tilespmem:s9], [sflag:$0x1], $0x80, s3, s9, $0xb8;
	[tilespmem:$0x17C80] =	vst v63  }
0x1d: {  	_ =	swait.ge [sflag:s10], $0x4000  }
0x1e: {  	s15 =	simm.s32 $0x20;
	s14 =	simm.s32 $0x10;
	[sflag:s10] =	ssyncset.done $0x0  }
.LBB2_2:
0x1f: {  	s16 =	sadd.s32 s14, s8  }
0x20: {  	[sflag:s10] =	ssyncadd.s32 $0xFFFFC000;
	s14 =	smov.u32 s15;
	s17 =	sadd.s32 $0x10, s15  }
0x21: {  	[tilespmem:s3], [sflag:$0x1] =	stream.linear.gather [hbm4b:s16+s3], $0x80, $0x38;
	[tilespmem:$0x17C80] =	vst v63  }
0x22: {  	p0 =	sne.s32 s15, $0x4F0;
	_ =	swait.ge [sflag:s10], $0x80  }
.Ltmp0:
0x23: {  	[sflag:s10] =	ssyncset.done $0x0;
	(pc) =	sbr.rel @p0 .LBB2_2-.Ltmp0, $4  }
0x24: {  	[sflag:s10] =	ssyncadd.s32 $0xFFFFFF80  }
0x25: {  	[spmem:s2] =	stream.indirect.scatter.add.f32 [tilespmem:s9], [sflag:$0x1], $0x80, s3, s9, $0xb8;
	[tilespmem:$0x17C80] =	vst v63  }
0x26: {  	_ =	swait.ge [sflag:s10], $0x4000  }
0x27: {  	s15 =	smov.u32 s17;
	[sflag:s10] =	ssyncset.done $0x0  }
0x28: {  	s14 =	sadd.s32 s14, s8;
	[sflag:s10] =	ssyncadd.s32 $0xFFFFC000  }
0x29: {  	[tilespmem:s3], [sflag:$0x1] =	stream.linear.gather [hbm4b:s14+s3], $0x80, $0x38;
	[tilespmem:$0x17C80] =	vst v63  }
0x2a: {  	_ =	swait.ge [sflag:s10], $0x80  }
0x2b: {  	[sflag:s10] =	ssyncset.done $0x0  }
0x2c: {  	[sflag:s10] =	ssyncadd.s32 $0xFFFFFF80  }
0x2d: {  	[spmem:s2] =	stream.indirect.scatter.add.f32 [tilespmem:s9], [sflag:$0x1], $0x80, s3, s9, $0xb8;
	[tilespmem:$0x17C80] =	vst v63  }
0x2e: {  	_ =	swait.ge [sflag:s10], $0x4000  }
0x2f: {  	s13 =	sadd.s32 $0x1, s13;
	[sflag:s10] =	ssyncset.done $0x0  }
0x30: {  	p0 =	sne.s32 s13, s7;
	[sflag:s10] =	ssyncadd.s32 $0xFFFFC000  }
.Ltmp1:
0x31: {  	[bflag:$0x0] =	sbarrier.arrive $0xFFFF;
	(pc) =	sbr.rel @p0 .LBB2_1-.Ltmp1, $4  }
0x32: {  	[hbm:s6], [sflag:s11] =	dma.local [spmem:s12], $0x2780  }
0x33: {  	_ =	swait.ge [sflag:s10], $0x2780  }
0x34: {  	[sflag:s10] =	ssyncset.done $0x0  }
0x35: {  	[sflag:s10] =	ssyncadd.s32 $0xFFFFD880  }
0x36: {  	_ =	sfence.sel $0x180000  }
0x37: {  	[bflag:$0x0] =	sbarrier.arrive $0xFFFF  }
0x38: {  	p0 =	sne.s32 s1, $0x0;
	_ =	strace $0x90000047  }
0x39: {  	s0 =	sadd.s32 @!p0 $0x100000, s0;
	[bflag:$0x2] =	sbarrier.arrive $0xFFFF  }
0x3a: {  	[sflag:s0] =	ssyncadd.tile.s32 @!p0 $0x1;
	_ =	shalt  }
.Lfunc_end2:
_tile_overlayer_lowered:
.L_overlay_start_2:
0x3b: {  	(tag) =	ssettag $0x2  }
0x3c: {  	s0 =	rddreg [dreg:$0x0];
	s2 =	stileid.u32  }
0x3d: {  	s1 =	rddreg [dreg:$0x1];
	p0 =	sne.s32 s2, $0x0  }
0x3e: {  	s3 =	rddreg [dreg:$0x2];
	[bflag:$0x3] =	sbarrier.arrive $0xFFFF;
	s2 =	simm.s32 @!p0 $0x1C01  }
0x3f: {  	[timem:s3], [sflag:s2] =	dma.local @!p0 [hbm:s0], s1  }
0x40: {  	s0 =	simm.s32 @!p0 $0x1  }
0x41: {  	_ =	swait.ge @!p0 [sflag:s0], s1  }
0x42: {  	s1 =	ssub.s32 @!p0 $0x0, s1;
	[sflag:s0] =	ssyncset.done @!p0 $0x0  }
0x43: {  	[sflag:s0] =	ssyncadd.s32 @!p0 s1  }
0x44: {  	[bflag:$0x3] =	sbarrier.arrive $0xFFFF  }
0x45: {  	_ =	shalt  }

</sc_bundles>
